<compile_context>
chip_gen: v7x
topology: tpu7x:2x2x1
jax: 0.10.2.dev20260603
libtpu: 0.0.44.dev20260713+nightly
codegen_flags: <defaults>
</compile_context>

<pallas_src>
import jax
import jax.numpy as jnp
from jax import lax
from jax.experimental import pallas as pl
from jax.experimental.pallas import tpu as pltpu
from jax.experimental.pallas import tpu_sc as plsc

N = 50000
NP = 50048
E = 800000
DIM = 64
H = 8
HD = 8
NEG = 0.2
NS = 16
CH = 4000
NCH = E // CH
GP16 = CH // 16
RB = 1000
GRID = N // RB


def _proj_body(x_ref, wsrc_ref, esw_ref, edw_ref, fs_ref, es_ref, ed_ref):
    xb = x_ref[...]
    fs_ref[...] = jnp.dot(xb, wsrc_ref[...], preferred_element_type=jnp.float32)
    es_ref[...] = jnp.dot(xb, esw_ref[...], preferred_element_type=jnp.float32)
    ed_ref[...] = jnp.dot(xb, edw_ref[...], preferred_element_type=jnp.float32)


def _run_proj(x, W_src, EsrcW, EdstW):
    return pl.pallas_call(
        _proj_body,
        grid=(GRID,),
        in_specs=[
            pl.BlockSpec((RB, DIM), lambda i: (i, 0)),
            pl.BlockSpec((DIM, DIM), lambda i: (0, 0)),
            pl.BlockSpec((DIM, H), lambda i: (0, 0)),
            pl.BlockSpec((DIM, H), lambda i: (0, 0)),
        ],
        out_specs=[
            pl.BlockSpec((RB, DIM), lambda i: (i, 0)),
            pl.BlockSpec((RB, H), lambda i: (i, 0)),
            pl.BlockSpec((RB, H), lambda i: (i, 0)),
        ],
        out_shape=[
            jax.ShapeDtypeStruct((N, DIM), jnp.float32),
            jax.ShapeDtypeStruct((N, H), jnp.float32),
            jax.ShapeDtypeStruct((N, H), jnp.float32),
        ],
    )(x, W_src, EsrcW, EdstW)


def _sc_edge_body(esT, edT, featT, srcidx, dstidx,
                  exout, accout,
                  colbuf, acol, sbuf, dbuf, exb,
                  sbuf1, dbuf1, exb1, semA, semB):
    c = lax.axis_index("c")
    s = lax.axis_index("s")
    tid = c * NS + s

    h = tid // 4
    p = tid % 4
    pltpu.sync_copy(esT.at[pl.ds(h * NP, NP)], colbuf)
    pltpu.sync_copy(edT.at[pl.ds(h * NP, NP)], acol)

    def _achunk(t, carry):
        off = (p * (NCH // 4) + t) * CH
        pltpu.sync_copy(srcidx.at[pl.ds(off, CH)], sbuf)
        pltpu.sync_copy(dstidx.at[pl.ds(off, CH)], dbuf)

        def _g(i, carry2):
            for u in range(5):
                sl = pl.ds((i * 5 + u) * 16, 16)
                es16 = plsc.load_gather(colbuf, [sbuf[sl]])
                ed16 = plsc.load_gather(acol, [dbuf[sl]])
                t0 = es16 + ed16
                exb[sl] = jnp.exp(jnp.maximum(t0, NEG * t0))
            return carry2
        lax.fori_loop(0, GP16 // 5, _g, 0)
        pltpu.sync_copy(exb, exout.at[pl.ds(h * E + off, CH)])
        return carry
    lax.fori_loop(0, NCH // 4, _achunk, 0)
    plsc.subcore_barrier()

    zero16 = jnp.broadcast_to(jnp.float32(0.0), (16,))

    def _zero_acol():
        def _z(r, carry):
            acol[pl.ds(r * 16, 16)] = zero16
            return carry
        lax.fori_loop(0, NP // 16, _z, 0)

    def _issue(off, hg, sb, db, eb, sem, with_src):
        if with_src:
            pltpu.async_copy(srcidx.at[pl.ds(off, CH)], sb, sem)
        pltpu.async_copy(dstidx.at[pl.ds(off, CH)], db, sem)
        pltpu.async_copy(exout.at[pl.ds(hg * E + off, CH)], eb, sem)

    def _wait(sb, db, eb, sem, with_src):
        if with_src:
            pltpu.make_async_copy(srcidx.at[pl.ds(0, CH)], sb, sem).wait()
        pltpu.make_async_copy(dstidx.at[pl.ds(0, CH)], db, sem).wait()
        pltpu.make_async_copy(exout.at[pl.ds(0, CH)], eb, sem).wait()

    def _compute(sb, db, eb, use_feat):
        def _g(i, carry2):
            for u in range(5):
                sl = pl.ds((i * 5 + u) * 16, 16)
                ex16 = eb[sl]
                if use_feat:
                    v = plsc.load_gather(colbuf, [sb[sl]]) * ex16
                else:
                    v = ex16
                plsc.addupdate_scatter(acol, [db[sl]], v)
            return carry2
        lax.fori_loop(0, GP16 // 5, _g, 0)

    def _sweep(c0, nch, hg, use_feat):
        _issue(c0 * CH, hg, sbuf, dbuf, exb, semA, use_feat)

        def _bchunk(t2, carry):
            t = c0 + t2 * 2
            _wait(sbuf, dbuf, exb, semA, use_feat)
            _issue((t + 1) * CH, hg, sbuf1, dbuf1, exb1, semB, use_feat)
            _compute(sbuf, dbuf, exb, use_feat)
            _wait(sbuf1, dbuf1, exb1, semB, use_feat)

            @pl.when(t + 2 < c0 + nch)
            def _():
                _issue((t + 2) * CH, hg, sbuf, dbuf, exb, semA, use_feat)
            _compute(sbuf1, dbuf1, exb1, use_feat)
            return carry
        lax.fori_loop(0, nch // 2, _bchunk, 0)

    for q in range(2):
        k = q * NS + s
        pltpu.sync_copy(featT.at[pl.ds((c * 32 + k) * NP, NP)], colbuf)
        _zero_acol()
        _sweep(0, NCH, k // 8 + c * 4, True)
        pltpu.sync_copy(acol, accout.at[pl.ds((c * 48 + k) * NP, NP)])

    _zero_acol()
    _sweep((s % 4) * (NCH // 4), NCH // 4, s // 4 + c * 4, False)
    pltpu.sync_copy(acol, accout.at[pl.ds((c * 48 + 32 + s) * NP, NP)])


def _run_sc_edge(esT, edT, featT, src, dst):
    mesh = plsc.VectorSubcoreMesh(core_axis_name="c", subcore_axis_name="s")
    f = pl.kernel(
        _sc_edge_body,
        mesh=mesh,
        compiler_params=pltpu.CompilerParams(
            use_tc_tiling_on_sc=False, needs_layout_passes=False),
        out_type=[
            jax.ShapeDtypeStruct((H * E,), jnp.float32),
            jax.ShapeDtypeStruct((96 * NP,), jnp.float32),
        ],
        scratch_types=[
            pltpu.VMEM((NP,), jnp.float32),
            pltpu.VMEM((NP,), jnp.float32),
            pltpu.VMEM((CH,), jnp.int32),
            pltpu.VMEM((CH,), jnp.int32),
            pltpu.VMEM((CH,), jnp.float32),
            pltpu.VMEM((CH,), jnp.int32),
            pltpu.VMEM((CH,), jnp.int32),
            pltpu.VMEM((CH,), jnp.float32),
            pltpu.SemaphoreType.DMA,
            pltpu.SemaphoreType.DMA,
        ],
    )
    return f(esT, edT, featT, src, dst)


def _final_body(a_ref, x_ref, resw_ref, resb_ref, rw_ref,
                relemb_ref, rpw_ref, rpb_ref, out_ref, relout_ref):
    a = a_ref[...]
    msg = jnp.concatenate([a[:, 0:32], a[:, 48:80]], axis=1)
    den = jnp.concatenate([a[:, 32:48], a[:, 80:96]],
                          axis=1).reshape(RB, H, 4).sum(-1)
    den8 = jnp.broadcast_to(den.reshape(RB, H, 1), (RB, H, HD)).reshape(RB, 64)
    o = jnp.maximum(msg / (den8 + 1e-16), 0.0)
    alpha = 1.0 / (1.0 + jnp.exp(-rw_ref[0, 0]))
    res = jnp.dot(x_ref[...], resw_ref[...],
                  preferred_element_type=jnp.float32) + resb_ref[...]
    out_ref[...] = o * alpha + res * (1.0 - alpha)
    relout_ref[...] = jnp.dot(relemb_ref[...], rpw_ref[...],
                              preferred_element_type=jnp.float32) + rpb_ref[...]


def _run_final(accT, x, resw_t, resb2, rw2, relemb2, rpw_t, rpb2):
    return pl.pallas_call(
        _final_body,
        grid=(GRID,),
        in_specs=[
            pl.BlockSpec((RB, 96), lambda i: (i, 0)),
            pl.BlockSpec((RB, DIM), lambda i: (i, 0)),
            pl.BlockSpec((DIM, DIM), lambda i: (0, 0)),
            pl.BlockSpec((1, DIM), lambda i: (0, 0)),
            pl.BlockSpec((1, 1), lambda i: (0, 0)),
            pl.BlockSpec((1, DIM), lambda i: (0, 0)),
            pl.BlockSpec((DIM, DIM), lambda i: (0, 0)),
            pl.BlockSpec((1, DIM), lambda i: (0, 0)),
        ],
        out_specs=[
            pl.BlockSpec((RB, DIM), lambda i: (i, 0)),
            pl.BlockSpec((1, DIM), lambda i: (0, 0)),
        ],
        out_shape=[
            jax.ShapeDtypeStruct((N, DIM), jnp.float32),
            jax.ShapeDtypeStruct((1, DIM), jnp.float32),
        ],
    )(accT, x, resw_t, resb2, rw2, relemb2, rpw_t, rpb2)


def kernel(x, relation_embedding, W_src, W_dst, rel_trans_w, res_w, res_b,
           residual_weight, rel_prop_w, rel_prop_b, edge_index):
    f32 = jnp.float32
    rel_attn = (relation_embedding @ rel_trans_w).reshape(H, 2 * HD)
    attn_dst = rel_attn[:, :HD]
    attn_src = rel_attn[:, HD:]
    eye = jnp.eye(H, dtype=f32)
    Msrc = (attn_src[:, :, None] * eye[:, None, :]).reshape(H * HD, H)
    Mdst = (attn_dst[:, :, None] * eye[:, None, :]).reshape(H * HD, H)
    EsrcW = W_src @ Msrc
    EdstW = W_dst @ Mdst

    fs, es, ed = _run_proj(x, W_src, EsrcW, EdstW)
    pad = ((0, 0), (0, NP - N))
    featT = jnp.pad(fs.T, pad).reshape(DIM * NP)
    esT = jnp.pad(es.T, pad).reshape(H * NP)
    edT = jnp.pad(ed.T, pad).reshape(H * NP)

    _, accflat = _run_sc_edge(esT, edT, featT, edge_index[0], edge_index[1])
    accT = accflat.reshape(96, NP)[:, :N].T

    out, rel2d = _run_final(accT, x, res_w.T, res_b[None, :],
                            residual_weight.reshape(1, 1),
                            relation_embedding[None, :], rel_prop_w.T,
                            rel_prop_b[None, :])
    return out, rel2d.reshape(DIM)

# --- scband reference (transcript-rebuilt; emitter-appended) ---
"""Pipeline reference for scband-r-hgnn-31001073942570 (READ-ONLY COPY).

The authoritative reference and input builder live on the scoring server;
editing this copy changes nothing except your own understanding.
"""

import jax, jax.numpy as jnp
import numpy as np

N = 50000
E = 800000
INPUT_DIM = 64
HIDDEN = 8
HEADS = 8
REL_DIM = 64
REL_HIDDEN = 8
NEG_SLOPE = 0.2


def setup_inputs(seed: int = 0):
    key = jax.random.key(seed)
    ks = jax.random.split(key, 12)
    s = 0.1
    return {
        "x": jax.random.normal(ks[0], (N, INPUT_DIM), dtype=jnp.float32),
        "relation_embedding": jax.random.normal(ks[1], (REL_DIM,), dtype=jnp.float32),
        "W_src": jax.random.normal(ks[2], (INPUT_DIM, HEADS * HIDDEN), dtype=jnp.float32) * s,
        "W_dst": jax.random.normal(ks[3], (INPUT_DIM, HEADS * HIDDEN), dtype=jnp.float32) * s,
        "rel_trans_w": jax.random.normal(ks[4], (REL_DIM, HEADS * 2 * HIDDEN), dtype=jnp.float32) * s,
        "res_w": jax.random.normal(ks[5], (HEADS * HIDDEN, INPUT_DIM), dtype=jnp.float32) * s,
        "res_b": jnp.zeros((HEADS * HIDDEN,), dtype=jnp.float32),
        "residual_weight": jax.random.normal(ks[6], (1,), dtype=jnp.float32),
        "rel_prop_w": jax.random.normal(ks[7], (HEADS * REL_HIDDEN, REL_DIM), dtype=jnp.float32) * s,
        "rel_prop_b": jnp.zeros((HEADS * REL_HIDDEN,), dtype=jnp.float32),
        "edge_index": jax.random.randint(ks[8], (2, E), 0, N, dtype=jnp.int32),
    }


def reference(x, relation_embedding, W_src, W_dst, rel_trans_w, res_w, res_b,
              residual_weight, rel_prop_w, rel_prop_b, edge_index):
    src = edge_index[0]
    dst = edge_index[1]
    # node transformations (per-relation src/dst projection), multi-head
    feat_src = (x @ W_src).reshape(N, HEADS, HIDDEN)
    feat_dst = (x @ W_dst).reshape(N, HEADS, HIDDEN)
    # relation-specific attention vectors
    rel_attn = (relation_embedding @ rel_trans_w).reshape(HEADS, 2 * HIDDEN)
    e_dst = (feat_dst * rel_attn[None, :, :HIDDEN]).sum(-1)   # (N, H)
    e_src = (feat_src * rel_attn[None, :, HIDDEN:]).sum(-1)   # (N, H)
    # per-edge unnormalized attention (u_add_v + leaky_relu)
    e = jax.nn.leaky_relu(e_src[src] + e_dst[dst], NEG_SLOPE)  # (E, H)
    # edge softmax over incoming edges of each dst node
    m = jax.ops.segment_max(e, dst, num_segments=N)
    m = jnp.where(jnp.isfinite(m), m, 0.0)
    ex = jnp.exp(e - m[dst])
    denom = jax.ops.segment_sum(ex, dst, num_segments=N)
    a = ex / (denom[dst] + 1e-16)
    # message passing: u_mul_e then sum-reduce onto dst
    msg = feat_src[src] * a[:, :, None]                        # (E, H, d)
    out = jax.ops.segment_sum(msg, dst, num_segments=N).reshape(N, HEADS * HIDDEN)
    out = jax.nn.relu(out)
    # gated residual connection
    alpha = jax.nn.sigmoid(residual_weight)
    out = out * alpha + (x @ res_w.T + res_b) * (1.0 - alpha)
    # single relation -> RelationCrossing is identity (squeeze of stack of 1)
    # relation propagation layer
    rel_out = relation_embedding @ rel_prop_w.T + rel_prop_b
    return out, rel_out

if __name__ == "__main__":
    import jax
    _d = setup_inputs()
    print(jax.jit(kernel)(*tuple(_d.values())))

</pallas_src>

<mosaic_0001>
#map = affine_map<(d0, d1) -> (0)>
module attributes {stable_mosaic.version = 14 : i64} {
  func.func @_sc_edge_body(%arg0: i32, %arg1: i32, %arg2: memref<400384xf32, #tpu.memory_space<hbm>>, %arg3: memref<400384xf32, #tpu.memory_space<hbm>>, %arg4: memref<3203072xf32, #tpu.memory_space<hbm>>, %arg5: memref<800000xi32, #tpu.memory_space<hbm>>, %arg6: memref<800000xi32, #tpu.memory_space<hbm>>, %arg7: memref<6400000xf32, #tpu.memory_space<hbm>>, %arg8: memref<4804608xf32, #tpu.memory_space<hbm>>, %arg9: memref<50048xf32, #tpu.memory_space<vmem>>, %arg10: memref<50048xf32, #tpu.memory_space<vmem>>, %arg11: memref<4000xi32, #tpu.memory_space<vmem>>, %arg12: memref<4000xi32, #tpu.memory_space<vmem>>, %arg13: memref<4000xf32, #tpu.memory_space<vmem>>, %arg14: memref<4000xi32, #tpu.memory_space<vmem>>, %arg15: memref<4000xi32, #tpu.memory_space<vmem>>, %arg16: memref<4000xf32, #tpu.memory_space<vmem>>, %arg17: memref<!tpu.dma_semaphore, #tpu.memory_space<semaphore_mem>>, %arg18: memref<!tpu.dma_semaphore, #tpu.memory_space<semaphore_mem>>) attributes {dimension_semantics = [#tpu.dimension_semantics<core_parallel>, #tpu.dimension_semantics<subcore_parallel>], iteration_bounds = array<i64: 2, 16>, scalar_prefetch = 0 : i64, scratch_operands = 10 : i64, tpu.core_type = #tpu.core_type<sc_vector_subcore>, window_params = [{transform_indices = #map}, {transform_indices = #map}, {transform_indices = #map}, {transform_indices = #map}, {transform_indices = #map}, {transform_indices = #map}, {transform_indices = #map}]} {
    %mul3A = arith.constant 16 : i32
    %mul3A_0 = arith.muli %arg0, %mul3A : i32
    %add3A = arith.addi %mul3A_0, %arg1 : i32
    %jit3A = arith.constant 4 : i32
    %div3A = arith.divsi %add3A, %jit3A : i32
    %sign3A = arith.constant 0 : i32
    %sign3A_1 = arith.cmpi sgt, %add3A, %sign3A : i32
    %sign3A_2 = arith.extui %sign3A_1 : i1 to i32
    %sign3A_3 = arith.constant 0 : i32
    %sign3A_4 = arith.cmpi slt, %add3A, %sign3A_3 : i32
    %sign3A_5 = arith.extui %sign3A_4 : i1 to i32
    %sign3A_6 = arith.subi %sign3A_2, %sign3A_5 : i32
    %sign3A_7 = arith.constant 0 : i32
    %sign3A_8 = arith.cmpi sgt, %jit3A, %sign3A_7 : i32
    %sign3A_9 = arith.extui %sign3A_8 : i1 to i32
    %sign3A_10 = arith.constant 0 : i32
    %sign3A_11 = arith.cmpi slt, %jit3A, %sign3A_10 : i32
    %sign3A_12 = arith.extui %sign3A_11 : i1 to i32
    %sign3A_13 = arith.subi %sign3A_9, %sign3A_12 : i32
    %ne3A = arith.cmpi ne, %sign3A_6, %sign3A_13 : i32
    %rem3A = arith.remsi %add3A, %jit3A : i32
    %ne3A_14 = arith.constant 0 : i32
    %ne3A_15 = arith.cmpi ne, %rem3A, %ne3A_14 : i32
    %and3A = arith.andi %ne3A, %ne3A_15 : i1
    %sub3A = arith.constant 1 : i32
    %sub3A_16 = arith.subi %div3A, %sub3A : i32
    %select_n3A = arith.select %and3A, %sub3A_16, %div3A : i32
    %jit3A_17 = arith.constant 4 : i32
    %eq3A = arith.constant 0 : i32
    %eq3A_18 = arith.cmpi eq, %jit3A_17, %eq3A : i32
    %jit3A_19 = arith.constant 1 : i32
    %select_n3A_20 = arith.select %eq3A_18, %jit3A_19, %jit3A_17 : i32
    %rem3A_21 = arith.remsi %add3A, %select_n3A_20 : i32
    %ne3A_22 = arith.constant 0 : i32
    %ne3A_23 = arith.cmpi ne, %rem3A_21, %ne3A_22 : i32
    %lt3A = arith.constant 0 : i32
    %lt3A_24 = arith.cmpi slt, %rem3A_21, %lt3A : i32
    %lt3A_25 = arith.constant 0 : i32
    %lt3A_26 = arith.cmpi slt, %select_n3A_20, %lt3A_25 : i32
    %ne3A_27 = arith.xori %lt3A_24, %lt3A_26 : i1
    %and3A_28 = arith.andi %ne3A_27, %ne3A_23 : i1
    %add3A_29 = arith.addi %rem3A_21, %select_n3A_20 : i32
    %select_n3A_30 = arith.select %and3A_28, %add3A_29, %rem3A_21 : i32
    %mul3A_31 = arith.constant 50048 : i32
    %mul3A_32 = arith.muli %select_n3A, %mul3A_31 : i32
    "tpu.region"() ({
      %run_scoped3A = tpu.sem_alloc : memref<!tpu.dma_semaphore, #tpu.memory_space<semaphore_mem>>
      %dma_start3A_243 = tpu.memref_slice %arg2[%mul3A_32] : memref<400384xf32, #tpu.memory_space<hbm>> -> memref<50048xf32, #tpu.memory_space<hbm>>
      %dma_start3A_244 = tpu.memref_slice %arg2[%mul3A_32] : memref<400384xf32, #tpu.memory_space<hbm>> -> memref<50048xf32, #tpu.memory_space<hbm>>
      tpu.enqueue_dma source(%dma_start3A_244 : memref<50048xf32, #tpu.memory_space<hbm>>) target(%arg9 : memref<50048xf32, #tpu.memory_space<vmem>>) target_semaphore(%run_scoped3A : memref<!tpu.dma_semaphore, #tpu.memory_space<semaphore_mem>>)
      %dma_wait3A = tpu.memref_slice %arg2[%mul3A_32] : memref<400384xf32, #tpu.memory_space<hbm>> -> memref<50048xf32, #tpu.memory_space<hbm>>
      %dma_wait3A_245 = tpu.memref_slice %arg2[%mul3A_32] : memref<400384xf32, #tpu.memory_space<hbm>> -> memref<50048xf32, #tpu.memory_space<hbm>>
      tpu.wait_dma2 semaphore(%run_scoped3A : memref<!tpu.dma_semaphore, #tpu.memory_space<semaphore_mem>>) src(%dma_wait3A_245 : memref<50048xf32, #tpu.memory_space<hbm>>) dst(%arg9 : memref<50048xf32, #tpu.memory_space<vmem>>)
      tpu.yield
    }) : () -> ()
    %mul3A_33 = arith.constant 50048 : i32
    %mul3A_34 = arith.muli %select_n3A, %mul3A_33 : i32
    "tpu.region"() ({
      %run_scoped3A = tpu.sem_alloc : memref<!tpu.dma_semaphore, #tpu.memory_space<semaphore_mem>>
      %dma_start3A_243 = tpu.memref_slice %arg3[%mul3A_34] : memref<400384xf32, #tpu.memory_space<hbm>> -> memref<50048xf32, #tpu.memory_space<hbm>>
      %dma_start3A_244 = tpu.memref_slice %arg3[%mul3A_34] : memref<400384xf32, #tpu.memory_space<hbm>> -> memref<50048xf32, #tpu.memory_space<hbm>>
      tpu.enqueue_dma source(%dma_start3A_244 : memref<50048xf32, #tpu.memory_space<hbm>>) target(%arg10 : memref<50048xf32, #tpu.memory_space<vmem>>) target_semaphore(%run_scoped3A : memref<!tpu.dma_semaphore, #tpu.memory_space<semaphore_mem>>)
      %dma_wait3A = tpu.memref_slice %arg3[%mul3A_34] : memref<400384xf32, #tpu.memory_space<hbm>> -> memref<50048xf32, #tpu.memory_space<hbm>>
      %dma_wait3A_245 = tpu.memref_slice %arg3[%mul3A_34] : memref<400384xf32, #tpu.memory_space<hbm>> -> memref<50048xf32, #tpu.memory_space<hbm>>
      tpu.wait_dma2 semaphore(%run_scoped3A : memref<!tpu.dma_semaphore, #tpu.memory_space<semaphore_mem>>) src(%dma_wait3A_245 : memref<50048xf32, #tpu.memory_space<hbm>>) dst(%arg10 : memref<50048xf32, #tpu.memory_space<vmem>>)
      tpu.yield
    }) : () -> ()
    %scan3A = arith.constant 0 : i32
    %scan3A_35 = arith.constant 0 : i32
    %scan3A_36 = arith.constant 50 : i32
    %scan3A_37 = arith.addi %scan3A_35, %scan3A_36 : i32
    %scan3A_38 = arith.constant 1 : i32
    scf.for %scan3A_243 = %scan3A_35 to %scan3A_37 step %scan3A_38  : i32 {
      %mul3A_244 = arith.constant 50 : i32
      %mul3A_245 = arith.muli %select_n3A_30, %mul3A_244 : i32
      %add3A_246 = arith.addi %mul3A_245, %scan3A_243 : i32
      %mul3A_247 = arith.constant 4000 : i32
      %mul3A_248 = arith.muli %add3A_246, %mul3A_247 : i32
      "tpu.region"() ({
        %run_scoped3A = tpu.sem_alloc : memref<!tpu.dma_semaphore, #tpu.memory_space<semaphore_mem>>
        %dma_start3A_258 = tpu.memref_slice %arg5[%mul3A_248] : memref<800000xi32, #tpu.memory_space<hbm>> -> memref<4000xi32, #tpu.memory_space<hbm>>
        %dma_start3A_259 = tpu.memref_slice %arg5[%mul3A_248] : memref<800000xi32, #tpu.memory_space<hbm>> -> memref<4000xi32, #tpu.memory_space<hbm>>
        tpu.enqueue_dma source(%dma_start3A_259 : memref<4000xi32, #tpu.memory_space<hbm>>) target(%arg11 : memref<4000xi32, #tpu.memory_space<vmem>>) target_semaphore(%run_scoped3A : memref<!tpu.dma_semaphore, #tpu.memory_space<semaphore_mem>>)
        %dma_wait3A = tpu.memref_slice %arg5[%mul3A_248] : memref<800000xi32, #tpu.memory_space<hbm>> -> memref<4000xi32, #tpu.memory_space<hbm>>
        %dma_wait3A_260 = tpu.memref_slice %arg5[%mul3A_248] : memref<800000xi32, #tpu.memory_space<hbm>> -> memref<4000xi32, #tpu.memory_space<hbm>>
        tpu.wait_dma2 semaphore(%run_scoped3A : memref<!tpu.dma_semaphore, #tpu.memory_space<semaphore_mem>>) src(%dma_wait3A_260 : memref<4000xi32, #tpu.memory_space<hbm>>) dst(%arg11 : memref<4000xi32, #tpu.memory_space<vmem>>)
        tpu.yield
      }) : () -> ()
      "tpu.region"() ({
        %run_scoped3A = tpu.sem_alloc : memref<!tpu.dma_semaphore, #tpu.memory_space<semaphore_mem>>
        %dma_start3A_258 = tpu.memref_slice %arg6[%mul3A_248] : memref<800000xi32, #tpu.memory_space<hbm>> -> memref<4000xi32, #tpu.memory_space<hbm>>
        %dma_start3A_259 = tpu.memref_slice %arg6[%mul3A_248] : memref<800000xi32, #tpu.memory_space<hbm>> -> memref<4000xi32, #tpu.memory_space<hbm>>
        tpu.enqueue_dma source(%dma_start3A_259 : memref<4000xi32, #tpu.memory_space<hbm>>) target(%arg12 : memref<4000xi32, #tpu.memory_space<vmem>>) target_semaphore(%run_scoped3A : memref<!tpu.dma_semaphore, #tpu.memory_space<semaphore_mem>>)
        %dma_wait3A = tpu.memref_slice %arg6[%mul3A_248] : memref<800000xi32, #tpu.memory_space<hbm>> -> memref<4000xi32, #tpu.memory_space<hbm>>
        %dma_wait3A_260 = tpu.memref_slice %arg6[%mul3A_248] : memref<800000xi32, #tpu.memory_space<hbm>> -> memref<4000xi32, #tpu.memory_space<hbm>>
        tpu.wait_dma2 semaphore(%run_scoped3A : memref<!tpu.dma_semaphore, #tpu.memory_space<semaphore_mem>>) src(%dma_wait3A_260 : memref<4000xi32, #tpu.memory_space<hbm>>) dst(%arg12 : memref<4000xi32, #tpu.memory_space<vmem>>)
        tpu.yield
      }) : () -> ()
      %scan3A_249 = arith.constant 0 : i32
      %scan3A_250 = arith.constant 0 : i32
      %scan3A_251 = arith.constant 50 : i32
      %scan3A_252 = arith.addi %scan3A_250, %scan3A_251 : i32
      %scan3A_253 = arith.constant 1 : i32
      scf.for %scan3A_258 = %scan3A_250 to %scan3A_252 step %scan3A_253  : i32 {
        %mul3A_259 = arith.constant 5 : i32
        %mul3A_260 = arith.muli %scan3A_258, %mul3A_259 : i32
        %add3A_261 = arith.constant 0 : i32
        %add3A_262 = arith.addi %mul3A_260, %add3A_261 : i32
        %mul3A_263 = arith.constant 16 : i32
        %mul3A_264 = arith.muli %add3A_262, %mul3A_263 : i32
        %get3A = arith.index_cast %mul3A_264 : i32 to index
        %get3A_265 = tpu.vector_load %arg11[%get3A] {strides = array<i32>} : memref<4000xi32, #tpu.memory_space<vmem>>, vector<16xi32>,
        %gather3A = tpu.vector_load_idx %arg9[%get3A_265] : memref<50048xf32, #tpu.memory_space<vmem>>[vector<16xi32>], vector<16xf32>,
        %get3A_266 = arith.index_cast %mul3A_264 : i32 to index
        %get3A_267 = tpu.vector_load %arg12[%get3A_266] {strides = array<i32>} : memref<4000xi32, #tpu.memory_space<vmem>>, vector<16xi32>,
        %gather3A_268 = tpu.vector_load_idx %arg10[%get3A_267] : memref<50048xf32, #tpu.memory_space<vmem>>[vector<16xi32>], vector<16xf32>,
        %add3A_269 = arith.addf %gather3A, %gather3A_268 : vector<16xf32>
        %mul3A_270 = arith.constant 2.000000e-01 : f32
        %mul3A_271 = vector.broadcast %mul3A_270 : f32 to vector<16xf32>
        %mul3A_272 = arith.mulf %mul3A_271, %add3A_269 : vector<16xf32>
        %max3A = arith.maximumf %add3A_269, %mul3A_272 : vector<16xf32>
        %exp3A = math.exp %max3A : vector<16xf32>
        %swap3A = arith.index_cast %mul3A_264 : i32 to index
        %swap3A_273 = tpu.vector_load %arg13[%swap3A] {strides = array<i32>} : memref<4000xf32, #tpu.memory_space<vmem>>, vector<16xf32>,
        tpu.vector_store %arg13[%swap3A], %exp3A {strides = array<i32>} : memref<4000xf32, #tpu.memory_space<vmem>>, vector<16xf32>,
        %mul3A_274 = arith.constant 5 : i32
        %mul3A_275 = arith.muli %scan3A_258, %mul3A_274 : i32
        %add3A_276 = arith.constant 1 : i32
        %add3A_277 = arith.addi %mul3A_275, %add3A_276 : i32
        %mul3A_278 = arith.constant 16 : i32
        %mul3A_279 = arith.muli %add3A_277, %mul3A_278 : i32
        %get3A_280 = arith.index_cast %mul3A_279 : i32 to index
        %get3A_281 = tpu.vector_load %arg11[%get3A_280] {strides = array<i32>} : memref<4000xi32, #tpu.memory_space<vmem>>, vector<16xi32>,
        %gather3A_282 = tpu.vector_load_idx %arg9[%get3A_281] : memref<50048xf32, #tpu.memory_space<vmem>>[vector<16xi32>], vector<16xf32>,
        %get3A_283 = arith.index_cast %mul3A_279 : i32 to index
        %get3A_284 = tpu.vector_load %arg12[%get3A_283] {strides = array<i32>} : memref<4000xi32, #tpu.memory_space<vmem>>, vector<16xi32>,
        %gather3A_285 = tpu.vector_load_idx %arg10[%get3A_284] : memref<50048xf32, #tpu.memory_space<vmem>>[vector<16xi32>], vector<16xf32>,
        %add3A_286 = arith.addf %gather3A_282, %gather3A_285 : vector<16xf32>
        %mul3A_287 = arith.constant 2.000000e-01 : f32
        %mul3A_288 = vector.broadcast %mul3A_287 : f32 to vector<16xf32>
        %mul3A_289 = arith.mulf %mul3A_288, %add3A_286 : vector<16xf32>
        %max3A_290 = arith.maximumf %add3A_286, %mul3A_289 : vector<16xf32>
        %exp3A_291 = math.exp %max3A_290 : vector<16xf32>
        %swap3A_292 = arith.index_cast %mul3A_279 : i32 to index
        %swap3A_293 = tpu.vector_load %arg13[%swap3A_292] {strides = array<i32>} : memref<4000xf32, #tpu.memory_space<vmem>>, vector<16xf32>,
        tpu.vector_store %arg13[%swap3A_292], %exp3A_291 {strides = array<i32>} : memref<4000xf32, #tpu.memory_space<vmem>>, vector<16xf32>,
        %mul3A_294 = arith.constant 5 : i32
        %mul3A_295 = arith.muli %scan3A_258, %mul3A_294 : i32
        %add3A_296 = arith.constant 2 : i32
        %add3A_297 = arith.addi %mul3A_295, %add3A_296 : i32
        %mul3A_298 = arith.constant 16 : i32
        %mul3A_299 = arith.muli %add3A_297, %mul3A_298 : i32
        %get3A_300 = arith.index_cast %mul3A_299 : i32 to index
        %get3A_301 = tpu.vector_load %arg11[%get3A_300] {strides = array<i32>} : memref<4000xi32, #tpu.memory_space<vmem>>, vector<16xi32>,
        %gather3A_302 = tpu.vector_load_idx %arg9[%get3A_301] : memref<50048xf32, #tpu.memory_space<vmem>>[vector<16xi32>], vector<16xf32>,
        %get3A_303 = arith.index_cast %mul3A_299 : i32 to index
        %get3A_304 = tpu.vector_load %arg12[%get3A_303] {strides = array<i32>} : memref<4000xi32, #tpu.memory_space<vmem>>, vector<16xi32>,
        %gather3A_305 = tpu.vector_load_idx %arg10[%get3A_304] : memref<50048xf32, #tpu.memory_space<vmem>>[vector<16xi32>], vector<16xf32>,
        %add3A_306 = arith.addf %gather3A_302, %gather3A_305 : vector<16xf32>
        %mul3A_307 = arith.constant 2.000000e-01 : f32
        %mul3A_308 = vector.broadcast %mul3A_307 : f32 to vector<16xf32>
        %mul3A_309 = arith.mulf %mul3A_308, %add3A_306 : vector<16xf32>
        %max3A_310 = arith.maximumf %add3A_306, %mul3A_309 : vector<16xf32>
        %exp3A_311 = math.exp %max3A_310 : vector<16xf32>
        %swap3A_312 = arith.index_cast %mul3A_299 : i32 to index
        %swap3A_313 = tpu.vector_load %arg13[%swap3A_312] {strides = array<i32>} : memref<4000xf32, #tpu.memory_space<vmem>>, vector<16xf32>,
        tpu.vector_store %arg13[%swap3A_312], %exp3A_311 {strides = array<i32>} : memref<4000xf32, #tpu.memory_space<vmem>>, vector<16xf32>,
        %mul3A_314 = arith.constant 5 : i32
        %mul3A_315 = arith.muli %scan3A_258, %mul3A_314 : i32
        %add3A_316 = arith.constant 3 : i32
        %add3A_317 = arith.addi %mul3A_315, %add3A_316 : i32
        %mul3A_318 = arith.constant 16 : i32
        %mul3A_319 = arith.muli %add3A_317, %mul3A_318 : i32
        %get3A_320 = arith.index_cast %mul3A_319 : i32 to index
        %get3A_321 = tpu.vector_load %arg11[%get3A_320] {strides = array<i32>} : memref<4000xi32, #tpu.memory_space<vmem>>, vector<16xi32>,
        %gather3A_322 = tpu.vector_load_idx %arg9[%get3A_321] : memref<50048xf32, #tpu.memory_space<vmem>>[vector<16xi32>], vector<16xf32>,
        %get3A_323 = arith.index_cast %mul3A_319 : i32 to index
        %get3A_324 = tpu.vector_load %arg12[%get3A_323] {strides = array<i32>} : memref<4000xi32, #tpu.memory_space<vmem>>, vector<16xi32>,
        %gather3A_325 = tpu.vector_load_idx %arg10[%get3A_324] : memref<50048xf32, #tpu.memory_space<vmem>>[vector<16xi32>], vector<16xf32>,
        %add3A_326 = arith.addf %gather3A_322, %gather3A_325 : vector<16xf32>
        %mul3A_327 = arith.constant 2.000000e-01 : f32
        %mul3A_328 = vector.broadcast %mul3A_327 : f32 to vector<16xf32>
        %mul3A_329 = arith.mulf %mul3A_328, %add3A_326 : vector<16xf32>
        %max3A_330 = arith.maximumf %add3A_326, %mul3A_329 : vector<16xf32>
        %exp3A_331 = math.exp %max3A_330 : vector<16xf32>
        %swap3A_332 = arith.index_cast %mul3A_319 : i32 to index
        %swap3A_333 = tpu.vector_load %arg13[%swap3A_332] {strides = array<i32>} : memref<4000xf32, #tpu.memory_space<vmem>>, vector<16xf32>,
        tpu.vector_store %arg13[%swap3A_332], %exp3A_331 {strides = array<i32>} : memref<4000xf32, #tpu.memory_space<vmem>>, vector<16xf32>,
        %mul3A_334 = arith.constant 5 : i32
        %mul3A_335 = arith.muli %scan3A_258, %mul3A_334 : i32
        %add3A_336 = arith.constant 4 : i32
        %add3A_337 = arith.addi %mul3A_335, %add3A_336 : i32
        %mul3A_338 = arith.constant 16 : i32
        %mul3A_339 = arith.muli %add3A_337, %mul3A_338 : i32
        %get3A_340 = arith.index_cast %mul3A_339 : i32 to index
        %get3A_341 = tpu.vector_load %arg11[%get3A_340] {strides = array<i32>} : memref<4000xi32, #tpu.memory_space<vmem>>, vector<16xi32>,
        %gather3A_342 = tpu.vector_load_idx %arg9[%get3A_341] : memref<50048xf32, #tpu.memory_space<vmem>>[vector<16xi32>], vector<16xf32>,
        %get3A_343 = arith.index_cast %mul3A_339 : i32 to index
        %get3A_344 = tpu.vector_load %arg12[%get3A_343] {strides = array<i32>} : memref<4000xi32, #tpu.memory_space<vmem>>, vector<16xi32>,
        %gather3A_345 = tpu.vector_load_idx %arg10[%get3A_344] : memref<50048xf32, #tpu.memory_space<vmem>>[vector<16xi32>], vector<16xf32>,
        %add3A_346 = arith.addf %gather3A_342, %gather3A_345 : vector<16xf32>
        %mul3A_347 = arith.constant 2.000000e-01 : f32
        %mul3A_348 = vector.broadcast %mul3A_347 : f32 to vector<16xf32>
        %mul3A_349 = arith.mulf %mul3A_348, %add3A_346 : vector<16xf32>
        %max3A_350 = arith.maximumf %add3A_346, %mul3A_349 : vector<16xf32>
        %exp3A_351 = math.exp %max3A_350 : vector<16xf32>
        %swap3A_352 = arith.index_cast %mul3A_339 : i32 to index
        %swap3A_353 = tpu.vector_load %arg13[%swap3A_352] {strides = array<i32>} : memref<4000xf32, #tpu.memory_space<vmem>>, vector<16xf32>,
        tpu.vector_store %arg13[%swap3A_352], %exp3A_351 {strides = array<i32>} : memref<4000xf32, #tpu.memory_space<vmem>>, vector<16xf32>,
      }
      %scan3A_254 = arith.constant 50 : i32
      %mul3A_255 = arith.constant 800000 : i32
      %mul3A_256 = arith.muli %select_n3A, %mul3A_255 : i32
      %add3A_257 = arith.addi %mul3A_256, %mul3A_248 : i32
      "tpu.region"() ({
        %run_scoped3A = tpu.sem_alloc : memref<!tpu.dma_semaphore, #tpu.memory_space<semaphore_mem>>
        %dma_start3A_258 = tpu.memref_slice %arg7[%add3A_257] : memref<6400000xf32, #tpu.memory_space<hbm>> -> memref<4000xf32, #tpu.memory_space<hbm>>
        %dma_start3A_259 = tpu.memref_slice %arg7[%add3A_257] : memref<6400000xf32, #tpu.memory_space<hbm>> -> memref<4000xf32, #tpu.memory_space<hbm>>
        tpu.enqueue_dma source(%arg13 : memref<4000xf32, #tpu.memory_space<vmem>>) target(%dma_start3A_259 : memref<4000xf32, #tpu.memory_space<hbm>>) target_semaphore(%run_scoped3A : memref<!tpu.dma_semaphore, #tpu.memory_space<semaphore_mem>>)
        %dma_wait3A = tpu.memref_slice %arg7[%add3A_257] : memref<6400000xf32, #tpu.memory_space<hbm>> -> memref<4000xf32, #tpu.memory_space<hbm>>
        %dma_wait3A_260 = tpu.memref_slice %arg7[%add3A_257] : memref<6400000xf32, #tpu.memory_space<hbm>> -> memref<4000xf32, #tpu.memory_space<hbm>>
        tpu.wait_dma2 semaphore(%run_scoped3A : memref<!tpu.dma_semaphore, #tpu.memory_space<semaphore_mem>>) src(%arg13 : memref<4000xf32, #tpu.memory_space<vmem>>) dst(%dma_wait3A_260 : memref<4000xf32, #tpu.memory_space<hbm>>)
        tpu.yield
      }) : () -> ()
    }
    %scan3A_39 = arith.constant 50 : i32
    %barrier3A = arith.constant 0 : index
    tpu.barrier barrier_id(%barrier3A)
    %broadcast_in_dim3A = arith.constant 0.000000e+00 : f32
    %broadcast_in_dim3A_40 = vector.broadcast %broadcast_in_dim3A : f32 to vector<16xf32>
    %add3A_41 = arith.constant 0 : i32
    %add3A_42 = arith.addi %add3A_41, %arg1 : i32
    %mul3A_43 = arith.constant 32 : i32
    %mul3A_44 = arith.muli %arg0, %mul3A_43 : i32
    %add3A_45 = arith.addi %mul3A_44, %add3A_42 : i32
    %mul3A_46 = arith.constant 50048 : i32
    %mul3A_47 = arith.muli %add3A_45, %mul3A_46 : i32
    "tpu.region"() ({
      %run_scoped3A = tpu.sem_alloc : memref<!tpu.dma_semaphore, #tpu.memory_space<semaphore_mem>>
      %dma_start3A_243 = tpu.memref_slice %arg4[%mul3A_47] : memref<3203072xf32, #tpu.memory_space<hbm>> -> memref<50048xf32, #tpu.memory_space<hbm>>
      %dma_start3A_244 = tpu.memref_slice %arg4[%mul3A_47] : memref<3203072xf32, #tpu.memory_space<hbm>> -> memref<50048xf32, #tpu.memory_space<hbm>>
      tpu.enqueue_dma source(%dma_start3A_244 : memref<50048xf32, #tpu.memory_space<hbm>>) target(%arg9 : memref<50048xf32, #tpu.memory_space<vmem>>) target_semaphore(%run_scoped3A : memref<!tpu.dma_semaphore, #tpu.memory_space<semaphore_mem>>)
      %dma_wait3A = tpu.memref_slice %arg4[%mul3A_47] : memref<3203072xf32, #tpu.memory_space<hbm>> -> memref<50048xf32, #tpu.memory_space<hbm>>
      %dma_wait3A_245 = tpu.memref_slice %arg4[%mul3A_47] : memref<3203072xf32, #tpu.memory_space<hbm>> -> memref<50048xf32, #tpu.memory_space<hbm>>
      tpu.wait_dma2 semaphore(%run_scoped3A : memref<!tpu.dma_semaphore, #tpu.memory_space<semaphore_mem>>) src(%dma_wait3A_245 : memref<50048xf32, #tpu.memory_space<hbm>>) dst(%arg9 : memref<50048xf32, #tpu.memory_space<vmem>>)
      tpu.yield
    }) : () -> ()
    %scan3A_48 = arith.constant 0 : i32
    %scan3A_49 = arith.constant 0 : i32
    %scan3A_50 = arith.constant 3128 : i32
    %scan3A_51 = arith.addi %scan3A_49, %scan3A_50 : i32
    %scan3A_52 = arith.constant 1 : i32
    scf.for %scan3A_243 = %scan3A_49 to %scan3A_51 step %scan3A_52  : i32 {
      %mul3A_244 = arith.constant 16 : i32
      %mul3A_245 = arith.muli %scan3A_243, %mul3A_244 : i32
      %swap3A = arith.index_cast %mul3A_245 : i32 to index
      %swap3A_246 = tpu.vector_load %arg10[%swap3A] {strides = array<i32>} : memref<50048xf32, #tpu.memory_space<vmem>>, vector<16xf32>,
      tpu.vector_store %arg10[%swap3A], %broadcast_in_dim3A_40 {strides = array<i32>} : memref<50048xf32, #tpu.memory_space<vmem>>, vector<16xf32>,
    }
    %scan3A_53 = arith.constant 3128 : i32
    %jit3A_54 = arith.constant 8 : i32
    %div3A_55 = arith.divsi %add3A_42, %jit3A_54 : i32
    %sign3A_56 = arith.constant 0 : i32
    %sign3A_57 = arith.cmpi sgt, %add3A_42, %sign3A_56 : i32
    %sign3A_58 = arith.extui %sign3A_57 : i1 to i32
    %sign3A_59 = arith.constant 0 : i32
    %sign3A_60 = arith.cmpi slt, %add3A_42, %sign3A_59 : i32
    %sign3A_61 = arith.extui %sign3A_60 : i1 to i32
    %sign3A_62 = arith.subi %sign3A_58, %sign3A_61 : i32
    %sign3A_63 = arith.constant 0 : i32
    %sign3A_64 = arith.cmpi sgt, %jit3A_54, %sign3A_63 : i32
    %sign3A_65 = arith.extui %sign3A_64 : i1 to i32
    %sign3A_66 = arith.constant 0 : i32
    %sign3A_67 = arith.cmpi slt, %jit3A_54, %sign3A_66 : i32
    %sign3A_68 = arith.extui %sign3A_67 : i1 to i32
    %sign3A_69 = arith.subi %sign3A_65, %sign3A_68 : i32
    %ne3A_70 = arith.cmpi ne, %sign3A_62, %sign3A_69 : i32
    %rem3A_71 = arith.remsi %add3A_42, %jit3A_54 : i32
    %ne3A_72 = arith.constant 0 : i32
    %ne3A_73 = arith.cmpi ne, %rem3A_71, %ne3A_72 : i32
    %and3A_74 = arith.andi %ne3A_70, %ne3A_73 : i1
    %sub3A_75 = arith.constant 1 : i32
    %sub3A_76 = arith.subi %div3A_55, %sub3A_75 : i32
    %select_n3A_77 = arith.select %and3A_74, %sub3A_76, %div3A_55 : i32
    %mul3A_78 = arith.constant 4 : i32
    %mul3A_79 = arith.muli %arg0, %mul3A_78 : i32
    %add3A_80 = arith.addi %select_n3A_77, %mul3A_79 : i32
    %dma_start3A = arith.constant 0 : i32
    %dma_start3A_81 = tpu.memref_slice %arg5[%dma_start3A] : memref<800000xi32, #tpu.memory_space<hbm>> -> memref<4000xi32, #tpu.memory_space<hbm>>
    %dma_start3A_82 = arith.constant 0 : i32
    %dma_start3A_83 = tpu.memref_slice %arg5[%dma_start3A_82] : memref<800000xi32, #tpu.memory_space<hbm>> -> memref<4000xi32, #tpu.memory_space<hbm>>
    tpu.enqueue_dma source(%dma_start3A_83 : memref<4000xi32, #tpu.memory_space<hbm>>) target(%arg11 : memref<4000xi32, #tpu.memory_space<vmem>>) target_semaphore(%arg17 : memref<!tpu.dma_semaphore, #tpu.memory_space<semaphore_mem>>)
    %dma_start3A_84 = arith.constant 0 : i32
    %dma_start3A_85 = tpu.memref_slice %arg6[%dma_start3A_84] : memref<800000xi32, #tpu.memory_space<hbm>> -> memref<4000xi32, #tpu.memory_space<hbm>>
    %dma_start3A_86 = arith.constant 0 : i32
    %dma_start3A_87 = tpu.memref_slice %arg6[%dma_start3A_86] : memref<800000xi32, #tpu.memory_space<hbm>> -> memref<4000xi32, #tpu.memory_space<hbm>>
    tpu.enqueue_dma source(%dma_start3A_87 : memref<4000xi32, #tpu.memory_space<hbm>>) target(%arg12 : memref<4000xi32, #tpu.memory_space<vmem>>) target_semaphore(%arg17 : memref<!tpu.dma_semaphore, #tpu.memory_space<semaphore_mem>>)
    %mul3A_88 = arith.constant 800000 : i32
    %mul3A_89 = arith.muli %add3A_80, %mul3A_88 : i32
    %add3A_90 = arith.constant 0 : i32
    %add3A_91 = arith.addi %mul3A_89, %add3A_90 : i32
    %dma_start3A_92 = tpu.memref_slice %arg7[%add3A_91] : memref<6400000xf32, #tpu.memory_space<hbm>> -> memref<4000xf32, #tpu.memory_space<hbm>>
    %dma_start3A_93 = tpu.memref_slice %arg7[%add3A_91] : memref<6400000xf32, #tpu.memory_space<hbm>> -> memref<4000xf32, #tpu.memory_space<hbm>>
    tpu.enqueue_dma source(%dma_start3A_93 : memref<4000xf32, #tpu.memory_space<hbm>>) target(%arg13 : memref<4000xf32, #tpu.memory_space<vmem>>) target_semaphore(%arg17 : memref<!tpu.dma_semaphore, #tpu.memory_space<semaphore_mem>>)
    %scan3A_94 = arith.constant 0 : i32
    %scan3A_95 = arith.constant 0 : i32
    %scan3A_96 = arith.constant 100 : i32
    %scan3A_97 = arith.addi %scan3A_95, %scan3A_96 : i32
    %scan3A_98 = arith.constant 1 : i32
    scf.for %scan3A_243 = %scan3A_95 to %scan3A_97 step %scan3A_98  : i32 {
      %mul3A_244 = arith.constant 2 : i32
      %mul3A_245 = arith.muli %scan3A_243, %mul3A_244 : i32
      %add3A_246 = arith.constant 0 : i32
      %add3A_247 = arith.addi %add3A_246, %mul3A_245 : i32
      %dma_wait3A = arith.constant 0 : i32
      %dma_wait3A_248 = tpu.memref_slice %arg5[%dma_wait3A] : memref<800000xi32, #tpu.memory_space<hbm>> -> memref<4000xi32, #tpu.memory_space<hbm>>
      %dma_wait3A_249 = arith.constant 0 : i32
      %dma_wait3A_250 = tpu.memref_slice %arg5[%dma_wait3A_249] : memref<800000xi32, #tpu.memory_space<hbm>> -> memref<4000xi32, #tpu.memory_space<hbm>>
      tpu.wait_dma2 semaphore(%arg17 : memref<!tpu.dma_semaphore, #tpu.memory_space<semaphore_mem>>) src(%dma_wait3A_250 : memref<4000xi32, #tpu.memory_space<hbm>>) dst(%arg11 : memref<4000xi32, #tpu.memory_space<vmem>>)
      %dma_wait3A_251 = arith.constant 0 : i32
      %dma_wait3A_252 = tpu.memref_slice %arg6[%dma_wait3A_251] : memref<800000xi32, #tpu.memory_space<hbm>> -> memref<4000xi32, #tpu.memory_space<hbm>>
      %dma_wait3A_253 = arith.constant 0 : i32
      %dma_wait3A_254 = tpu.memref_slice %arg6[%dma_wait3A_253] : memref<800000xi32, #tpu.memory_space<hbm>> -> memref<4000xi32, #tpu.memory_space<hbm>>
      tpu.wait_dma2 semaphore(%arg17 : memref<!tpu.dma_semaphore, #tpu.memory_space<semaphore_mem>>) src(%dma_wait3A_254 : memref<4000xi32, #tpu.memory_space<hbm>>) dst(%arg12 : memref<4000xi32, #tpu.memory_space<vmem>>)
      %dma_wait3A_255 = arith.constant 0 : i32
      %dma_wait3A_256 = tpu.memref_slice %arg7[%dma_wait3A_255] : memref<6400000xf32, #tpu.memory_space<hbm>> -> memref<4000xf32, #tpu.memory_space<hbm>>
      %dma_wait3A_257 = arith.constant 0 : i32
      %dma_wait3A_258 = tpu.memref_slice %arg7[%dma_wait3A_257] : memref<6400000xf32, #tpu.memory_space<hbm>> -> memref<4000xf32, #tpu.memory_space<hbm>>
      tpu.wait_dma2 semaphore(%arg17 : memref<!tpu.dma_semaphore, #tpu.memory_space<semaphore_mem>>) src(%dma_wait3A_258 : memref<4000xf32, #tpu.memory_space<hbm>>) dst(%arg13 : memref<4000xf32, #tpu.memory_space<vmem>>)
      %add3A_259 = arith.constant 1 : i32
      %add3A_260 = arith.addi %add3A_247, %add3A_259 : i32
      %mul3A_261 = arith.constant 4000 : i32
      %mul3A_262 = arith.muli %add3A_260, %mul3A_261 : i32
      %dma_start3A_263 = tpu.memref_slice %arg5[%mul3A_262] : memref<800000xi32, #tpu.memory_space<hbm>> -> memref<4000xi32, #tpu.memory_space<hbm>>
      %dma_start3A_264 = tpu.memref_slice %arg5[%mul3A_262] : memref<800000xi32, #tpu.memory_space<hbm>> -> memref<4000xi32, #tpu.memory_space<hbm>>
      tpu.enqueue_dma source(%dma_start3A_264 : memref<4000xi32, #tpu.memory_space<hbm>>) target(%arg14 : memref<4000xi32, #tpu.memory_space<vmem>>) target_semaphore(%arg18 : memref<!tpu.dma_semaphore, #tpu.memory_space<semaphore_mem>>)
      %dma_start3A_265 = tpu.memref_slice %arg6[%mul3A_262] : memref<800000xi32, #tpu.memory_space<hbm>> -> memref<4000xi32, #tpu.memory_space<hbm>>
      %dma_start3A_266 = tpu.memref_slice %arg6[%mul3A_262] : memref<800000xi32, #tpu.memory_space<hbm>> -> memref<4000xi32, #tpu.memory_space<hbm>>
      tpu.enqueue_dma source(%dma_start3A_266 : memref<4000xi32, #tpu.memory_space<hbm>>) target(%arg15 : memref<4000xi32, #tpu.memory_space<vmem>>) target_semaphore(%arg18 : memref<!tpu.dma_semaphore, #tpu.memory_space<semaphore_mem>>)
      %mul3A_267 = arith.constant 800000 : i32
      %mul3A_268 = arith.muli %add3A_80, %mul3A_267 : i32
      %add3A_269 = arith.addi %mul3A_268, %mul3A_262 : i32
      %dma_start3A_270 = tpu.memref_slice %arg7[%add3A_269] : memref<6400000xf32, #tpu.memory_space<hbm>> -> memref<4000xf32, #tpu.memory_space<hbm>>
      %dma_start3A_271 = tpu.memref_slice %arg7[%add3A_269] : memref<6400000xf32, #tpu.memory_space<hbm>> -> memref<4000xf32, #tpu.memory_space<hbm>>
      tpu.enqueue_dma source(%dma_start3A_271 : memref<4000xf32, #tpu.memory_space<hbm>>) target(%arg16 : memref<4000xf32, #tpu.memory_space<vmem>>) target_semaphore(%arg18 : memref<!tpu.dma_semaphore, #tpu.memory_space<semaphore_mem>>)
      %scan3A_272 = arith.constant 0 : i32
      %scan3A_273 = arith.constant 0 : i32
      %scan3A_274 = arith.constant 50 : i32
      %scan3A_275 = arith.addi %scan3A_273, %scan3A_274 : i32
      %scan3A_276 = arith.constant 1 : i32
      scf.for %scan3A_301 = %scan3A_273 to %scan3A_275 step %scan3A_276  : i32 {
        %mul3A_302 = arith.constant 5 : i32
        %mul3A_303 = arith.muli %scan3A_301, %mul3A_302 : i32
        %add3A_304 = arith.constant 0 : i32
        %add3A_305 = arith.addi %mul3A_303, %add3A_304 : i32
        %mul3A_306 = arith.constant 16 : i32
        %mul3A_307 = arith.muli %add3A_305, %mul3A_306 : i32
        %get3A = arith.index_cast %mul3A_307 : i32 to index
        %get3A_308 = tpu.vector_load %arg13[%get3A] {strides = array<i32>} : memref<4000xf32, #tpu.memory_space<vmem>>, vector<16xf32>,
        %get3A_309 = arith.index_cast %mul3A_307 : i32 to index
        %get3A_310 = tpu.vector_load %arg11[%get3A_309] {strides = array<i32>} : memref<4000xi32, #tpu.memory_space<vmem>>, vector<16xi32>,
        %gather3A = tpu.vector_load_idx %arg9[%get3A_310] : memref<50048xf32, #tpu.memory_space<vmem>>[vector<16xi32>], vector<16xf32>,
        %mul3A_311 = arith.mulf %gather3A, %get3A_308 : vector<16xf32>
        %get3A_312 = arith.index_cast %mul3A_307 : i32 to index
        %get3A_313 = tpu.vector_load %arg12[%get3A_312] {strides = array<i32>} : memref<4000xi32, #tpu.memory_space<vmem>>, vector<16xi32>,
        tpu.vector_store_idx %arg10[%get3A_313], %mul3A_311 {add = true} : memref<50048xf32, #tpu.memory_space<vmem>>[vector<16xi32>], vector<16xf32>,
        %mul3A_314 = arith.constant 5 : i32
        %mul3A_315 = arith.muli %scan3A_301, %mul3A_314 : i32
        %add3A_316 = arith.constant 1 : i32
        %add3A_317 = arith.addi %mul3A_315, %add3A_316 : i32
        %mul3A_318 = arith.constant 16 : i32
        %mul3A_319 = arith.muli %add3A_317, %mul3A_318 : i32
        %get3A_320 = arith.index_cast %mul3A_319 : i32 to index
        %get3A_321 = tpu.vector_load %arg13[%get3A_320] {strides = array<i32>} : memref<4000xf32, #tpu.memory_space<vmem>>, vector<16xf32>,
        %get3A_322 = arith.index_cast %mul3A_319 : i32 to index
        %get3A_323 = tpu.vector_load %arg11[%get3A_322] {strides = array<i32>} : memref<4000xi32, #tpu.memory_space<vmem>>, vector<16xi32>,
        %gather3A_324 = tpu.vector_load_idx %arg9[%get3A_323] : memref<50048xf32, #tpu.memory_space<vmem>>[vector<16xi32>], vector<16xf32>,
        %mul3A_325 = arith.mulf %gather3A_324, %get3A_321 : vector<16xf32>
        %get3A_326 = arith.index_cast %mul3A_319 : i32 to index
        %get3A_327 = tpu.vector_load %arg12[%get3A_326] {strides = array<i32>} : memref<4000xi32, #tpu.memory_space<vmem>>, vector<16xi32>,
        tpu.vector_store_idx %arg10[%get3A_327], %mul3A_325 {add = true} : memref<50048xf32, #tpu.memory_space<vmem>>[vector<16xi32>], vector<16xf32>,
        %mul3A_328 = arith.constant 5 : i32
        %mul3A_329 = arith.muli %scan3A_301, %mul3A_328 : i32
        %add3A_330 = arith.constant 2 : i32
        %add3A_331 = arith.addi %mul3A_329, %add3A_330 : i32
        %mul3A_332 = arith.constant 16 : i32
        %mul3A_333 = arith.muli %add3A_331, %mul3A_332 : i32
        %get3A_334 = arith.index_cast %mul3A_333 : i32 to index
        %get3A_335 = tpu.vector_load %arg13[%get3A_334] {strides = array<i32>} : memref<4000xf32, #tpu.memory_space<vmem>>, vector<16xf32>,
        %get3A_336 = arith.index_cast %mul3A_333 : i32 to index
        %get3A_337 = tpu.vector_load %arg11[%get3A_336] {strides = array<i32>} : memref<4000xi32, #tpu.memory_space<vmem>>, vector<16xi32>,
        %gather3A_338 = tpu.vector_load_idx %arg9[%get3A_337] : memref<50048xf32, #tpu.memory_space<vmem>>[vector<16xi32>], vector<16xf32>,
        %mul3A_339 = arith.mulf %gather3A_338, %get3A_335 : vector<16xf32>
        %get3A_340 = arith.index_cast %mul3A_333 : i32 to index
        %get3A_341 = tpu.vector_load %arg12[%get3A_340] {strides = array<i32>} : memref<4000xi32, #tpu.memory_space<vmem>>, vector<16xi32>,
        tpu.vector_store_idx %arg10[%get3A_341], %mul3A_339 {add = true} : memref<50048xf32, #tpu.memory_space<vmem>>[vector<16xi32>], vector<16xf32>,
        %mul3A_342 = arith.constant 5 : i32
        %mul3A_343 = arith.muli %scan3A_301, %mul3A_342 : i32
        %add3A_344 = arith.constant 3 : i32
        %add3A_345 = arith.addi %mul3A_343, %add3A_344 : i32
        %mul3A_346 = arith.constant 16 : i32
        %mul3A_347 = arith.muli %add3A_345, %mul3A_346 : i32
        %get3A_348 = arith.index_cast %mul3A_347 : i32 to index
        %get3A_349 = tpu.vector_load %arg13[%get3A_348] {strides = array<i32>} : memref<4000xf32, #tpu.memory_space<vmem>>, vector<16xf32>,
        %get3A_350 = arith.index_cast %mul3A_347 : i32 to index
        %get3A_351 = tpu.vector_load %arg11[%get3A_350] {strides = array<i32>} : memref<4000xi32, #tpu.memory_space<vmem>>, vector<16xi32>,
        %gather3A_352 = tpu.vector_load_idx %arg9[%get3A_351] : memref<50048xf32, #tpu.memory_space<vmem>>[vector<16xi32>], vector<16xf32>,
        %mul3A_353 = arith.mulf %gather3A_352, %get3A_349 : vector<16xf32>
        %get3A_354 = arith.index_cast %mul3A_347 : i32 to index
        %get3A_355 = tpu.vector_load %arg12[%get3A_354] {strides = array<i32>} : memref<4000xi32, #tpu.memory_space<vmem>>, vector<16xi32>,
        tpu.vector_store_idx %arg10[%get3A_355], %mul3A_353 {add = true} : memref<50048xf32, #tpu.memory_space<vmem>>[vector<16xi32>], vector<16xf32>,
        %mul3A_356 = arith.constant 5 : i32
        %mul3A_357 = arith.muli %scan3A_301, %mul3A_356 : i32
        %add3A_358 = arith.constant 4 : i32
        %add3A_359 = arith.addi %mul3A_357, %add3A_358 : i32
        %mul3A_360 = arith.constant 16 : i32
        %mul3A_361 = arith.muli %add3A_359, %mul3A_360 : i32
        %get3A_362 = arith.index_cast %mul3A_361 : i32 to index
        %get3A_363 = tpu.vector_load %arg13[%get3A_362] {strides = array<i32>} : memref<4000xf32, #tpu.memory_space<vmem>>, vector<16xf32>,
        %get3A_364 = arith.index_cast %mul3A_361 : i32 to index
        %get3A_365 = tpu.vector_load %arg11[%get3A_364] {strides = array<i32>} : memref<4000xi32, #tpu.memory_space<vmem>>, vector<16xi32>,
        %gather3A_366 = tpu.vector_load_idx %arg9[%get3A_365] : memref<50048xf32, #tpu.memory_space<vmem>>[vector<16xi32>], vector<16xf32>,
        %mul3A_367 = arith.mulf %gather3A_366, %get3A_363 : vector<16xf32>
        %get3A_368 = arith.index_cast %mul3A_361 : i32 to index
        %get3A_369 = tpu.vector_load %arg12[%get3A_368] {strides = array<i32>} : memref<4000xi32, #tpu.memory_space<vmem>>, vector<16xi32>,
        tpu.vector_store_idx %arg10[%get3A_369], %mul3A_367 {add = true} : memref<50048xf32, #tpu.memory_space<vmem>>[vector<16xi32>], vector<16xf32>,
      }
      %scan3A_277 = arith.constant 50 : i32
      %dma_wait3A_278 = arith.constant 0 : i32
      %dma_wait3A_279 = tpu.memref_slice %arg5[%dma_wait3A_278] : memref<800000xi32, #tpu.memory_space<hbm>> -> memref<4000xi32, #tpu.memory_space<hbm>>
      %dma_wait3A_280 = arith.constant 0 : i32
      %dma_wait3A_281 = tpu.memref_slice %arg5[%dma_wait3A_280] : memref<800000xi32, #tpu.memory_space<hbm>> -> memref<4000xi32, #tpu.memory_space<hbm>>
      tpu.wait_dma2 semaphore(%arg18 : memref<!tpu.dma_semaphore, #tpu.memory_space<semaphore_mem>>) src(%dma_wait3A_281 : memref<4000xi32, #tpu.memory_space<hbm>>) dst(%arg14 : memref<4000xi32, #tpu.memory_space<vmem>>)
      %dma_wait3A_282 = arith.constant 0 : i32
      %dma_wait3A_283 = tpu.memref_slice %arg6[%dma_wait3A_282] : memref<800000xi32, #tpu.memory_space<hbm>> -> memref<4000xi32, #tpu.memory_space<hbm>>
      %dma_wait3A_284 = arith.constant 0 : i32
      %dma_wait3A_285 = tpu.memref_slice %arg6[%dma_wait3A_284] : memref<800000xi32, #tpu.memory_space<hbm>> -> memref<4000xi32, #tpu.memory_space<hbm>>
      tpu.wait_dma2 semaphore(%arg18 : memref<!tpu.dma_semaphore, #tpu.memory_space<semaphore_mem>>) src(%dma_wait3A_285 : memref<4000xi32, #tpu.memory_space<hbm>>) dst(%arg15 : memref<4000xi32, #tpu.memory_space<vmem>>)
      %dma_wait3A_286 = arith.constant 0 : i32
      %dma_wait3A_287 = tpu.memref_slice %arg7[%dma_wait3A_286] : memref<6400000xf32, #tpu.memory_space<hbm>> -> memref<4000xf32, #tpu.memory_space<hbm>>
      %dma_wait3A_288 = arith.constant 0 : i32
      %dma_wait3A_289 = tpu.memref_slice %arg7[%dma_wait3A_288] : memref<6400000xf32, #tpu.memory_space<hbm>> -> memref<4000xf32, #tpu.memory_space<hbm>>
      tpu.wait_dma2 semaphore(%arg18 : memref<!tpu.dma_semaphore, #tpu.memory_space<semaphore_mem>>) src(%dma_wait3A_289 : memref<4000xf32, #tpu.memory_space<hbm>>) dst(%arg16 : memref<4000xf32, #tpu.memory_space<vmem>>)
      %add3A_290 = arith.constant 2 : i32
      %add3A_291 = arith.addi %add3A_247, %add3A_290 : i32
      %lt3A_292 = arith.constant 200 : i32
      %lt3A_293 = arith.cmpi slt, %add3A_291, %lt3A_292 : i32
      %convert_element_type3A = arith.extui %lt3A_293 : i1 to i32
      %cond3A = arith.constant 0 : i32
      %cond3A_294 = arith.cmpi ne, %convert_element_type3A, %cond3A : i32
      scf.if %cond3A_294 {
        %add3A_301 = arith.constant 2 : i32
        %add3A_302 = arith.addi %add3A_247, %add3A_301 : i32
        %mul3A_303 = arith.constant 4000 : i32
        %mul3A_304 = arith.muli %add3A_302, %mul3A_303 : i32
        %dma_start3A_305 = tpu.memref_slice %arg5[%mul3A_304] : memref<800000xi32, #tpu.memory_space<hbm>> -> memref<4000xi32, #tpu.memory_space<hbm>>
        %dma_start3A_306 = tpu.memref_slice %arg5[%mul3A_304] : memref<800000xi32, #tpu.memory_space<hbm>> -> memref<4000xi32, #tpu.memory_space<hbm>>
        tpu.enqueue_dma source(%dma_start3A_306 : memref<4000xi32, #tpu.memory_space<hbm>>) target(%arg11 : memref<4000xi32, #tpu.memory_space<vmem>>) target_semaphore(%arg17 : memref<!tpu.dma_semaphore, #tpu.memory_space<semaphore_mem>>)
        %dma_start3A_307 = tpu.memref_slice %arg6[%mul3A_304] : memref<800000xi32, #tpu.memory_space<hbm>> -> memref<4000xi32, #tpu.memory_space<hbm>>
        %dma_start3A_308 = tpu.memref_slice %arg6[%mul3A_304] : memref<800000xi32, #tpu.memory_space<hbm>> -> memref<4000xi32, #tpu.memory_space<hbm>>
        tpu.enqueue_dma source(%dma_start3A_308 : memref<4000xi32, #tpu.memory_space<hbm>>) target(%arg12 : memref<4000xi32, #tpu.memory_space<vmem>>) target_semaphore(%arg17 : memref<!tpu.dma_semaphore, #tpu.memory_space<semaphore_mem>>)
        %mul3A_309 = arith.constant 800000 : i32
        %mul3A_310 = arith.muli %add3A_80, %mul3A_309 : i32
        %add3A_311 = arith.addi %mul3A_310, %mul3A_304 : i32
        %dma_start3A_312 = tpu.memref_slice %arg7[%add3A_311] : memref<6400000xf32, #tpu.memory_space<hbm>> -> memref<4000xf32, #tpu.memory_space<hbm>>
        %dma_start3A_313 = tpu.memref_slice %arg7[%add3A_311] : memref<6400000xf32, #tpu.memory_space<hbm>> -> memref<4000xf32, #tpu.memory_space<hbm>>
        tpu.enqueue_dma source(%dma_start3A_313 : memref<4000xf32, #tpu.memory_space<hbm>>) target(%arg13 : memref<4000xf32, #tpu.memory_space<vmem>>) target_semaphore(%arg17 : memref<!tpu.dma_semaphore, #tpu.memory_space<semaphore_mem>>)
      } else {
      }
      %scan3A_295 = arith.constant 0 : i32
      %scan3A_296 = arith.constant 0 : i32
      %scan3A_297 = arith.constant 50 : i32
      %scan3A_298 = arith.addi %scan3A_296, %scan3A_297 : i32
      %scan3A_299 = arith.constant 1 : i32
      scf.for %scan3A_301 = %scan3A_296 to %scan3A_298 step %scan3A_299  : i32 {
        %mul3A_302 = arith.constant 5 : i32
        %mul3A_303 = arith.muli %scan3A_301, %mul3A_302 : i32
        %add3A_304 = arith.constant 0 : i32
        %add3A_305 = arith.addi %mul3A_303, %add3A_304 : i32
        %mul3A_306 = arith.constant 16 : i32
        %mul3A_307 = arith.muli %add3A_305, %mul3A_306 : i32
        %get3A = arith.index_cast %mul3A_307 : i32 to index
        %get3A_308 = tpu.vector_load %arg16[%get3A] {strides = array<i32>} : memref<4000xf32, #tpu.memory_space<vmem>>, vector<16xf32>,
        %get3A_309 = arith.index_cast %mul3A_307 : i32 to index
        %get3A_310 = tpu.vector_load %arg14[%get3A_309] {strides = array<i32>} : memref<4000xi32, #tpu.memory_space<vmem>>, vector<16xi32>,
        %gather3A = tpu.vector_load_idx %arg9[%get3A_310] : memref<50048xf32, #tpu.memory_space<vmem>>[vector<16xi32>], vector<16xf32>,
        %mul3A_311 = arith.mulf %gather3A, %get3A_308 : vector<16xf32>
        %get3A_312 = arith.index_cast %mul3A_307 : i32 to index
        %get3A_313 = tpu.vector_load %arg15[%get3A_312] {strides = array<i32>} : memref<4000xi32, #tpu.memory_space<vmem>>, vector<16xi32>,
        tpu.vector_store_idx %arg10[%get3A_313], %mul3A_311 {add = true} : memref<50048xf32, #tpu.memory_space<vmem>>[vector<16xi32>], vector<16xf32>,
        %mul3A_314 = arith.constant 5 : i32
        %mul3A_315 = arith.muli %scan3A_301, %mul3A_314 : i32
        %add3A_316 = arith.constant 1 : i32
        %add3A_317 = arith.addi %mul3A_315, %add3A_316 : i32
        %mul3A_318 = arith.constant 16 : i32
        %mul3A_319 = arith.muli %add3A_317, %mul3A_318 : i32
        %get3A_320 = arith.index_cast %mul3A_319 : i32 to index
        %get3A_321 = tpu.vector_load %arg16[%get3A_320] {strides = array<i32>} : memref<4000xf32, #tpu.memory_space<vmem>>, vector<16xf32>,
        %get3A_322 = arith.index_cast %mul3A_319 : i32 to index
        %get3A_323 = tpu.vector_load %arg14[%get3A_322] {strides = array<i32>} : memref<4000xi32, #tpu.memory_space<vmem>>, vector<16xi32>,
        %gather3A_324 = tpu.vector_load_idx %arg9[%get3A_323] : memref<50048xf32, #tpu.memory_space<vmem>>[vector<16xi32>], vector<16xf32>,
        %mul3A_325 = arith.mulf %gather3A_324, %get3A_321 : vector<16xf32>
        %get3A_326 = arith.index_cast %mul3A_319 : i32 to index
        %get3A_327 = tpu.vector_load %arg15[%get3A_326] {strides = array<i32>} : memref<4000xi32, #tpu.memory_space<vmem>>, vector<16xi32>,
        tpu.vector_store_idx %arg10[%get3A_327], %mul3A_325 {add = true} : memref<50048xf32, #tpu.memory_space<vmem>>[vector<16xi32>], vector<16xf32>,
        %mul3A_328 = arith.constant 5 : i32
        %mul3A_329 = arith.muli %scan3A_301, %mul3A_328 : i32
        %add3A_330 = arith.constant 2 : i32
        %add3A_331 = arith.addi %mul3A_329, %add3A_330 : i32
        %mul3A_332 = arith.constant 16 : i32
        %mul3A_333 = arith.muli %add3A_331, %mul3A_332 : i32
        %get3A_334 = arith.index_cast %mul3A_333 : i32 to index
        %get3A_335 = tpu.vector_load %arg16[%get3A_334] {strides = array<i32>} : memref<4000xf32, #tpu.memory_space<vmem>>, vector<16xf32>,
        %get3A_336 = arith.index_cast %mul3A_333 : i32 to index
        %get3A_337 = tpu.vector_load %arg14[%get3A_336] {strides = array<i32>} : memref<4000xi32, #tpu.memory_space<vmem>>, vector<16xi32>,
        %gather3A_338 = tpu.vector_load_idx %arg9[%get3A_337] : memref<50048xf32, #tpu.memory_space<vmem>>[vector<16xi32>], vector<16xf32>,
        %mul3A_339 = arith.mulf %gather3A_338, %get3A_335 : vector<16xf32>
        %get3A_340 = arith.index_cast %mul3A_333 : i32 to index
        %get3A_341 = tpu.vector_load %arg15[%get3A_340] {strides = array<i32>} : memref<4000xi32, #tpu.memory_space<vmem>>, vector<16xi32>,
        tpu.vector_store_idx %arg10[%get3A_341], %mul3A_339 {add = true} : memref<50048xf32, #tpu.memory_space<vmem>>[vector<16xi32>], vector<16xf32>,
        %mul3A_342 = arith.constant 5 : i32
        %mul3A_343 = arith.muli %scan3A_301, %mul3A_342 : i32
        %add3A_344 = arith.constant 3 : i32
        %add3A_345 = arith.addi %mul3A_343, %add3A_344 : i32
        %mul3A_346 = arith.constant 16 : i32
        %mul3A_347 = arith.muli %add3A_345, %mul3A_346 : i32
        %get3A_348 = arith.index_cast %mul3A_347 : i32 to index
        %get3A_349 = tpu.vector_load %arg16[%get3A_348] {strides = array<i32>} : memref<4000xf32, #tpu.memory_space<vmem>>, vector<16xf32>,
        %get3A_350 = arith.index_cast %mul3A_347 : i32 to index
        %get3A_351 = tpu.vector_load %arg14[%get3A_350] {strides = array<i32>} : memref<4000xi32, #tpu.memory_space<vmem>>, vector<16xi32>,
        %gather3A_352 = tpu.vector_load_idx %arg9[%get3A_351] : memref<50048xf32, #tpu.memory_space<vmem>>[vector<16xi32>], vector<16xf32>,
        %mul3A_353 = arith.mulf %gather3A_352, %get3A_349 : vector<16xf32>
        %get3A_354 = arith.index_cast %mul3A_347 : i32 to index
        %get3A_355 = tpu.vector_load %arg15[%get3A_354] {strides = array<i32>} : memref<4000xi32, #tpu.memory_space<vmem>>, vector<16xi32>,
        tpu.vector_store_idx %arg10[%get3A_355], %mul3A_353 {add = true} : memref<50048xf32, #tpu.memory_space<vmem>>[vector<16xi32>], vector<16xf32>,
        %mul3A_356 = arith.constant 5 : i32
        %mul3A_357 = arith.muli %scan3A_301, %mul3A_356 : i32
        %add3A_358 = arith.constant 4 : i32
        %add3A_359 = arith.addi %mul3A_357, %add3A_358 : i32
        %mul3A_360 = arith.constant 16 : i32
        %mul3A_361 = arith.muli %add3A_359, %mul3A_360 : i32
        %get3A_362 = arith.index_cast %mul3A_361 : i32 to index
        %get3A_363 = tpu.vector_load %arg16[%get3A_362] {strides = array<i32>} : memref<4000xf32, #tpu.memory_space<vmem>>, vector<16xf32>,
        %get3A_364 = arith.index_cast %mul3A_361 : i32 to index
        %get3A_365 = tpu.vector_load %arg14[%get3A_364] {strides = array<i32>} : memref<4000xi32, #tpu.memory_space<vmem>>, vector<16xi32>,
        %gather3A_366 = tpu.vector_load_idx %arg9[%get3A_365] : memref<50048xf32, #tpu.memory_space<vmem>>[vector<16xi32>], vector<16xf32>,
        %mul3A_367 = arith.mulf %gather3A_366, %get3A_363 : vector<16xf32>
        %get3A_368 = arith.index_cast %mul3A_361 : i32 to index
        %get3A_369 = tpu.vector_load %arg15[%get3A_368] {strides = array<i32>} : memref<4000xi32, #tpu.memory_space<vmem>>, vector<16xi32>,
        tpu.vector_store_idx %arg10[%get3A_369], %mul3A_367 {add = true} : memref<50048xf32, #tpu.memory_space<vmem>>[vector<16xi32>], vector<16xf32>,
      }
      %scan3A_300 = arith.constant 50 : i32
    }
    %scan3A_99 = arith.constant 100 : i32
    %mul3A_100 = arith.constant 48 : i32
    %mul3A_101 = arith.muli %arg0, %mul3A_100 : i32
    %add3A_102 = arith.addi %mul3A_101, %add3A_42 : i32
    %mul3A_103 = arith.constant 50048 : i32
    %mul3A_104 = arith.muli %add3A_102, %mul3A_103 : i32
    "tpu.region"() ({
      %run_scoped3A = tpu.sem_alloc : memref<!tpu.dma_semaphore, #tpu.memory_space<semaphore_mem>>
      %dma_start3A_243 = tpu.memref_slice %arg8[%mul3A_104] : memref<4804608xf32, #tpu.memory_space<hbm>> -> memref<50048xf32, #tpu.memory_space<hbm>>
      %dma_start3A_244 = tpu.memref_slice %arg8[%mul3A_104] : memref<4804608xf32, #tpu.memory_space<hbm>> -> memref<50048xf32, #tpu.memory_space<hbm>>
      tpu.enqueue_dma source(%arg10 : memref<50048xf32, #tpu.memory_space<vmem>>) target(%dma_start3A_244 : memref<50048xf32, #tpu.memory_space<hbm>>) target_semaphore(%run_scoped3A : memref<!tpu.dma_semaphore, #tpu.memory_space<semaphore_mem>>)
      %dma_wait3A = tpu.memref_slice %arg8[%mul3A_104] : memref<4804608xf32, #tpu.memory_space<hbm>> -> memref<50048xf32, #tpu.memory_space<hbm>>
      %dma_wait3A_245 = tpu.memref_slice %arg8[%mul3A_104] : memref<4804608xf32, #tpu.memory_space<hbm>> -> memref<50048xf32, #tpu.memory_space<hbm>>
      tpu.wait_dma2 semaphore(%run_scoped3A : memref<!tpu.dma_semaphore, #tpu.memory_space<semaphore_mem>>) src(%arg10 : memref<50048xf32, #tpu.memory_space<vmem>>) dst(%dma_wait3A_245 : memref<50048xf32, #tpu.memory_space<hbm>>)
      tpu.yield
    }) : () -> ()
    %add3A_105 = arith.constant 16 : i32
    %add3A_106 = arith.addi %add3A_105, %arg1 : i32
    %mul3A_107 = arith.constant 32 : i32
    %mul3A_108 = arith.muli %arg0, %mul3A_107 : i32
    %add3A_109 = arith.addi %mul3A_108, %add3A_106 : i32
    %mul3A_110 = arith.constant 50048 : i32
    %mul3A_111 = arith.muli %add3A_109, %mul3A_110 : i32
    "tpu.region"() ({
      %run_scoped3A = tpu.sem_alloc : memref<!tpu.dma_semaphore, #tpu.memory_space<semaphore_mem>>
      %dma_start3A_243 = tpu.memref_slice %arg4[%mul3A_111] : memref<3203072xf32, #tpu.memory_space<hbm>> -> memref<50048xf32, #tpu.memory_space<hbm>>
      %dma_start3A_244 = tpu.memref_slice %arg4[%mul3A_111] : memref<3203072xf32, #tpu.memory_space<hbm>> -> memref<50048xf32, #tpu.memory_space<hbm>>
      tpu.enqueue_dma source(%dma_start3A_244 : memref<50048xf32, #tpu.memory_space<hbm>>) target(%arg9 : memref<50048xf32, #tpu.memory_space<vmem>>) target_semaphore(%run_scoped3A : memref<!tpu.dma_semaphore, #tpu.memory_space<semaphore_mem>>)
      %dma_wait3A = tpu.memref_slice %arg4[%mul3A_111] : memref<3203072xf32, #tpu.memory_space<hbm>> -> memref<50048xf32, #tpu.memory_space<hbm>>
      %dma_wait3A_245 = tpu.memref_slice %arg4[%mul3A_111] : memref<3203072xf32, #tpu.memory_space<hbm>> -> memref<50048xf32, #tpu.memory_space<hbm>>
      tpu.wait_dma2 semaphore(%run_scoped3A : memref<!tpu.dma_semaphore, #tpu.memory_space<semaphore_mem>>) src(%dma_wait3A_245 : memref<50048xf32, #tpu.memory_space<hbm>>) dst(%arg9 : memref<50048xf32, #tpu.memory_space<vmem>>)
      tpu.yield
    }) : () -> ()
    %scan3A_112 = arith.constant 0 : i32
    %scan3A_113 = arith.constant 0 : i32
    %scan3A_114 = arith.constant 3128 : i32
    %scan3A_115 = arith.addi %scan3A_113, %scan3A_114 : i32
    %scan3A_116 = arith.constant 1 : i32
    scf.for %scan3A_243 = %scan3A_113 to %scan3A_115 step %scan3A_116  : i32 {
      %mul3A_244 = arith.constant 16 : i32
      %mul3A_245 = arith.muli %scan3A_243, %mul3A_244 : i32
      %swap3A = arith.index_cast %mul3A_245 : i32 to index
      %swap3A_246 = tpu.vector_load %arg10[%swap3A] {strides = array<i32>} : memref<50048xf32, #tpu.memory_space<vmem>>, vector<16xf32>,
      tpu.vector_store %arg10[%swap3A], %broadcast_in_dim3A_40 {strides = array<i32>} : memref<50048xf32, #tpu.memory_space<vmem>>, vector<16xf32>,
    }
    %scan3A_117 = arith.constant 3128 : i32
    %jit3A_118 = arith.constant 8 : i32
    %div3A_119 = arith.divsi %add3A_106, %jit3A_118 : i32
    %sign3A_120 = arith.constant 0 : i32
    %sign3A_121 = arith.cmpi sgt, %add3A_106, %sign3A_120 : i32
    %sign3A_122 = arith.extui %sign3A_121 : i1 to i32
    %sign3A_123 = arith.constant 0 : i32
    %sign3A_124 = arith.cmpi slt, %add3A_106, %sign3A_123 : i32
    %sign3A_125 = arith.extui %sign3A_124 : i1 to i32
    %sign3A_126 = arith.subi %sign3A_122, %sign3A_125 : i32
    %sign3A_127 = arith.constant 0 : i32
    %sign3A_128 = arith.cmpi sgt, %jit3A_118, %sign3A_127 : i32
    %sign3A_129 = arith.extui %sign3A_128 : i1 to i32
    %sign3A_130 = arith.constant 0 : i32
    %sign3A_131 = arith.cmpi slt, %jit3A_118, %sign3A_130 : i32
    %sign3A_132 = arith.extui %sign3A_131 : i1 to i32
    %sign3A_133 = arith.subi %sign3A_129, %sign3A_132 : i32
    %ne3A_134 = arith.cmpi ne, %sign3A_126, %sign3A_133 : i32
    %rem3A_135 = arith.remsi %add3A_106, %jit3A_118 : i32
    %ne3A_136 = arith.constant 0 : i32
    %ne3A_137 = arith.cmpi ne, %rem3A_135, %ne3A_136 : i32
    %and3A_138 = arith.andi %ne3A_134, %ne3A_137 : i1
    %sub3A_139 = arith.constant 1 : i32
    %sub3A_140 = arith.subi %div3A_119, %sub3A_139 : i32
    %select_n3A_141 = arith.select %and3A_138, %sub3A_140, %div3A_119 : i32
    %mul3A_142 = arith.constant 4 : i32
    %mul3A_143 = arith.muli %arg0, %mul3A_142 : i32
    %add3A_144 = arith.addi %select_n3A_141, %mul3A_143 : i32
    %dma_start3A_145 = arith.constant 0 : i32
    %dma_start3A_146 = tpu.memref_slice %arg5[%dma_start3A_145] : memref<800000xi32, #tpu.memory_space<hbm>> -> memref<4000xi32, #tpu.memory_space<hbm>>
    %dma_start3A_147 = arith.constant 0 : i32
    %dma_start3A_148 = tpu.memref_slice %arg5[%dma_start3A_147] : memref<800000xi32, #tpu.memory_space<hbm>> -> memref<4000xi32, #tpu.memory_space<hbm>>
    tpu.enqueue_dma source(%dma_start3A_148 : memref<4000xi32, #tpu.memory_space<hbm>>) target(%arg11 : memref<4000xi32, #tpu.memory_space<vmem>>) target_semaphore(%arg17 : memref<!tpu.dma_semaphore, #tpu.memory_space<semaphore_mem>>)
    %dma_start3A_149 = arith.constant 0 : i32
    %dma_start3A_150 = tpu.memref_slice %arg6[%dma_start3A_149] : memref<800000xi32, #tpu.memory_space<hbm>> -> memref<4000xi32, #tpu.memory_space<hbm>>
    %dma_start3A_151 = arith.constant 0 : i32
    %dma_start3A_152 = tpu.memref_slice %arg6[%dma_start3A_151] : memref<800000xi32, #tpu.memory_space<hbm>> -> memref<4000xi32, #tpu.memory_space<hbm>>
    tpu.enqueue_dma source(%dma_start3A_152 : memref<4000xi32, #tpu.memory_space<hbm>>) target(%arg12 : memref<4000xi32, #tpu.memory_space<vmem>>) target_semaphore(%arg17 : memref<!tpu.dma_semaphore, #tpu.memory_space<semaphore_mem>>)
    %mul3A_153 = arith.constant 800000 : i32
    %mul3A_154 = arith.muli %add3A_144, %mul3A_153 : i32
    %add3A_155 = arith.constant 0 : i32
    %add3A_156 = arith.addi %mul3A_154, %add3A_155 : i32
    %dma_start3A_157 = tpu.memref_slice %arg7[%add3A_156] : memref<6400000xf32, #tpu.memory_space<hbm>> -> memref<4000xf32, #tpu.memory_space<hbm>>
    %dma_start3A_158 = tpu.memref_slice %arg7[%add3A_156] : memref<6400000xf32, #tpu.memory_space<hbm>> -> memref<4000xf32, #tpu.memory_space<hbm>>
    tpu.enqueue_dma source(%dma_start3A_158 : memref<4000xf32, #tpu.memory_space<hbm>>) target(%arg13 : memref<4000xf32, #tpu.memory_space<vmem>>) target_semaphore(%arg17 : memref<!tpu.dma_semaphore, #tpu.memory_space<semaphore_mem>>)
    %scan3A_159 = arith.constant 0 : i32
    %scan3A_160 = arith.constant 0 : i32
    %scan3A_161 = arith.constant 100 : i32
    %scan3A_162 = arith.addi %scan3A_160, %scan3A_161 : i32
    %scan3A_163 = arith.constant 1 : i32
    scf.for %scan3A_243 = %scan3A_160 to %scan3A_162 step %scan3A_163  : i32 {
      %mul3A_244 = arith.constant 2 : i32
      %mul3A_245 = arith.muli %scan3A_243, %mul3A_244 : i32
      %add3A_246 = arith.constant 0 : i32
      %add3A_247 = arith.addi %add3A_246, %mul3A_245 : i32
      %dma_wait3A = arith.constant 0 : i32
      %dma_wait3A_248 = tpu.memref_slice %arg5[%dma_wait3A] : memref<800000xi32, #tpu.memory_space<hbm>> -> memref<4000xi32, #tpu.memory_space<hbm>>
      %dma_wait3A_249 = arith.constant 0 : i32
      %dma_wait3A_250 = tpu.memref_slice %arg5[%dma_wait3A_249] : memref<800000xi32, #tpu.memory_space<hbm>> -> memref<4000xi32, #tpu.memory_space<hbm>>
      tpu.wait_dma2 semaphore(%arg17 : memref<!tpu.dma_semaphore, #tpu.memory_space<semaphore_mem>>) src(%dma_wait3A_250 : memref<4000xi32, #tpu.memory_space<hbm>>) dst(%arg11 : memref<4000xi32, #tpu.memory_space<vmem>>)
      %dma_wait3A_251 = arith.constant 0 : i32
      %dma_wait3A_252 = tpu.memref_slice %arg6[%dma_wait3A_251] : memref<800000xi32, #tpu.memory_space<hbm>> -> memref<4000xi32, #tpu.memory_space<hbm>>
      %dma_wait3A_253 = arith.constant 0 : i32
      %dma_wait3A_254 = tpu.memref_slice %arg6[%dma_wait3A_253] : memref<800000xi32, #tpu.memory_space<hbm>> -> memref<4000xi32, #tpu.memory_space<hbm>>
      tpu.wait_dma2 semaphore(%arg17 : memref<!tpu.dma_semaphore, #tpu.memory_space<semaphore_mem>>) src(%dma_wait3A_254 : memref<4000xi32, #tpu.memory_space<hbm>>) dst(%arg12 : memref<4000xi32, #tpu.memory_space<vmem>>)
      %dma_wait3A_255 = arith.constant 0 : i32
      %dma_wait3A_256 = tpu.memref_slice %arg7[%dma_wait3A_255] : memref<6400000xf32, #tpu.memory_space<hbm>> -> memref<4000xf32, #tpu.memory_space<hbm>>
      %dma_wait3A_257 = arith.constant 0 : i32
      %dma_wait3A_258 = tpu.memref_slice %arg7[%dma_wait3A_257] : memref<6400000xf32, #tpu.memory_space<hbm>> -> memref<4000xf32, #tpu.memory_space<hbm>>
      tpu.wait_dma2 semaphore(%arg17 : memref<!tpu.dma_semaphore, #tpu.memory_space<semaphore_mem>>) src(%dma_wait3A_258 : memref<4000xf32, #tpu.memory_space<hbm>>) dst(%arg13 : memref<4000xf32, #tpu.memory_space<vmem>>)
      %add3A_259 = arith.constant 1 : i32
      %add3A_260 = arith.addi %add3A_247, %add3A_259 : i32
      %mul3A_261 = arith.constant 4000 : i32
      %mul3A_262 = arith.muli %add3A_260, %mul3A_261 : i32
      %dma_start3A_263 = tpu.memref_slice %arg5[%mul3A_262] : memref<800000xi32, #tpu.memory_space<hbm>> -> memref<4000xi32, #tpu.memory_space<hbm>>
      %dma_start3A_264 = tpu.memref_slice %arg5[%mul3A_262] : memref<800000xi32, #tpu.memory_space<hbm>> -> memref<4000xi32, #tpu.memory_space<hbm>>
      tpu.enqueue_dma source(%dma_start3A_264 : memref<4000xi32, #tpu.memory_space<hbm>>) target(%arg14 : memref<4000xi32, #tpu.memory_space<vmem>>) target_semaphore(%arg18 : memref<!tpu.dma_semaphore, #tpu.memory_space<semaphore_mem>>)
      %dma_start3A_265 = tpu.memref_slice %arg6[%mul3A_262] : memref<800000xi32, #tpu.memory_space<hbm>> -> memref<4000xi32, #tpu.memory_space<hbm>>
      %dma_start3A_266 = tpu.memref_slice %arg6[%mul3A_262] : memref<800000xi32, #tpu.memory_space<hbm>> -> memref<4000xi32, #tpu.memory_space<hbm>>
      tpu.enqueue_dma source(%dma_start3A_266 : memref<4000xi32, #tpu.memory_space<hbm>>) target(%arg15 : memref<4000xi32, #tpu.memory_space<vmem>>) target_semaphore(%arg18 : memref<!tpu.dma_semaphore, #tpu.memory_space<semaphore_mem>>)
      %mul3A_267 = arith.constant 800000 : i32
      %mul3A_268 = arith.muli %add3A_144, %mul3A_267 : i32
      %add3A_269 = arith.addi %mul3A_268, %mul3A_262 : i32
      %dma_start3A_270 = tpu.memref_slice %arg7[%add3A_269] : memref<6400000xf32, #tpu.memory_space<hbm>> -> memref<4000xf32, #tpu.memory_space<hbm>>
      %dma_start3A_271 = tpu.memref_slice %arg7[%add3A_269] : memref<6400000xf32, #tpu.memory_space<hbm>> -> memref<4000xf32, #tpu.memory_space<hbm>>
      tpu.enqueue_dma source(%dma_start3A_271 : memref<4000xf32, #tpu.memory_space<hbm>>) target(%arg16 : memref<4000xf32, #tpu.memory_space<vmem>>) target_semaphore(%arg18 : memref<!tpu.dma_semaphore, #tpu.memory_space<semaphore_mem>>)
      %scan3A_272 = arith.constant 0 : i32
      %scan3A_273 = arith.constant 0 : i32
      %scan3A_274 = arith.constant 50 : i32
      %scan3A_275 = arith.addi %scan3A_273, %scan3A_274 : i32
      %scan3A_276 = arith.constant 1 : i32
      scf.for %scan3A_301 = %scan3A_273 to %scan3A_275 step %scan3A_276  : i32 {
        %mul3A_302 = arith.constant 5 : i32
        %mul3A_303 = arith.muli %scan3A_301, %mul3A_302 : i32
        %add3A_304 = arith.constant 0 : i32
        %add3A_305 = arith.addi %mul3A_303, %add3A_304 : i32
        %mul3A_306 = arith.constant 16 : i32
        %mul3A_307 = arith.muli %add3A_305, %mul3A_306 : i32
        %get3A = arith.index_cast %mul3A_307 : i32 to index
        %get3A_308 = tpu.vector_load %arg13[%get3A] {strides = array<i32>} : memref<4000xf32, #tpu.memory_space<vmem>>, vector<16xf32>,
        %get3A_309 = arith.index_cast %mul3A_307 : i32 to index
        %get3A_310 = tpu.vector_load %arg11[%get3A_309] {strides = array<i32>} : memref<4000xi32, #tpu.memory_space<vmem>>, vector<16xi32>,
        %gather3A = tpu.vector_load_idx %arg9[%get3A_310] : memref<50048xf32, #tpu.memory_space<vmem>>[vector<16xi32>], vector<16xf32>,
        %mul3A_311 = arith.mulf %gather3A, %get3A_308 : vector<16xf32>
        %get3A_312 = arith.index_cast %mul3A_307 : i32 to index
        %get3A_313 = tpu.vector_load %arg12[%get3A_312] {strides = array<i32>} : memref<4000xi32, #tpu.memory_space<vmem>>, vector<16xi32>,
        tpu.vector_store_idx %arg10[%get3A_313], %mul3A_311 {add = true} : memref<50048xf32, #tpu.memory_space<vmem>>[vector<16xi32>], vector<16xf32>,
        %mul3A_314 = arith.constant 5 : i32
        %mul3A_315 = arith.muli %scan3A_301, %mul3A_314 : i32
        %add3A_316 = arith.constant 1 : i32
        %add3A_317 = arith.addi %mul3A_315, %add3A_316 : i32
        %mul3A_318 = arith.constant 16 : i32
        %mul3A_319 = arith.muli %add3A_317, %mul3A_318 : i32
        %get3A_320 = arith.index_cast %mul3A_319 : i32 to index
        %get3A_321 = tpu.vector_load %arg13[%get3A_320] {strides = array<i32>} : memref<4000xf32, #tpu.memory_space<vmem>>, vector<16xf32>,
        %get3A_322 = arith.index_cast %mul3A_319 : i32 to index
        %get3A_323 = tpu.vector_load %arg11[%get3A_322] {strides = array<i32>} : memref<4000xi32, #tpu.memory_space<vmem>>, vector<16xi32>,
        %gather3A_324 = tpu.vector_load_idx %arg9[%get3A_323] : memref<50048xf32, #tpu.memory_space<vmem>>[vector<16xi32>], vector<16xf32>,
        %mul3A_325 = arith.mulf %gather3A_324, %get3A_321 : vector<16xf32>
        %get3A_326 = arith.index_cast %mul3A_319 : i32 to index
        %get3A_327 = tpu.vector_load %arg12[%get3A_326] {strides = array<i32>} : memref<4000xi32, #tpu.memory_space<vmem>>, vector<16xi32>,
        tpu.vector_store_idx %arg10[%get3A_327], %mul3A_325 {add = true} : memref<50048xf32, #tpu.memory_space<vmem>>[vector<16xi32>], vector<16xf32>,
        %mul3A_328 = arith.constant 5 : i32
        %mul3A_329 = arith.muli %scan3A_301, %mul3A_328 : i32
        %add3A_330 = arith.constant 2 : i32
        %add3A_331 = arith.addi %mul3A_329, %add3A_330 : i32
        %mul3A_332 = arith.constant 16 : i32
        %mul3A_333 = arith.muli %add3A_331, %mul3A_332 : i32
        %get3A_334 = arith.index_cast %mul3A_333 : i32 to index
        %get3A_335 = tpu.vector_load %arg13[%get3A_334] {strides = array<i32>} : memref<4000xf32, #tpu.memory_space<vmem>>, vector<16xf32>,
        %get3A_336 = arith.index_cast %mul3A_333 : i32 to index
        %get3A_337 = tpu.vector_load %arg11[%get3A_336] {strides = array<i32>} : memref<4000xi32, #tpu.memory_space<vmem>>, vector<16xi32>,
        %gather3A_338 = tpu.vector_load_idx %arg9[%get3A_337] : memref<50048xf32, #tpu.memory_space<vmem>>[vector<16xi32>], vector<16xf32>,
        %mul3A_339 = arith.mulf %gather3A_338, %get3A_335 : vector<16xf32>
        %get3A_340 = arith.index_cast %mul3A_333 : i32 to index
        %get3A_341 = tpu.vector_load %arg12[%get3A_340] {strides = array<i32>} : memref<4000xi32, #tpu.memory_space<vmem>>, vector<16xi32>,
        tpu.vector_store_idx %arg10[%get3A_341], %mul3A_339 {add = true} : memref<50048xf32, #tpu.memory_space<vmem>>[vector<16xi32>], vector<16xf32>,
        %mul3A_342 = arith.constant 5 : i32
        %mul3A_343 = arith.muli %scan3A_301, %mul3A_342 : i32
        %add3A_344 = arith.constant 3 : i32
        %add3A_345 = arith.addi %mul3A_343, %add3A_344 : i32
        %mul3A_346 = arith.constant 16 : i32
        %mul3A_347 = arith.muli %add3A_345, %mul3A_346 : i32
        %get3A_348 = arith.index_cast %mul3A_347 : i32 to index
        %get3A_349 = tpu.vector_load %arg13[%get3A_348] {strides = array<i32>} : memref<4000xf32, #tpu.memory_space<vmem>>, vector<16xf32>,
        %get3A_350 = arith.index_cast %mul3A_347 : i32 to index
        %get3A_351 = tpu.vector_load %arg11[%get3A_350] {strides = array<i32>} : memref<4000xi32, #tpu.memory_space<vmem>>, vector<16xi32>,
        %gather3A_352 = tpu.vector_load_idx %arg9[%get3A_351] : memref<50048xf32, #tpu.memory_space<vmem>>[vector<16xi32>], vector<16xf32>,
        %mul3A_353 = arith.mulf %gather3A_352, %get3A_349 : vector<16xf32>
        %get3A_354 = arith.index_cast %mul3A_347 : i32 to index
        %get3A_355 = tpu.vector_load %arg12[%get3A_354] {strides = array<i32>} : memref<4000xi32, #tpu.memory_space<vmem>>, vector<16xi32>,
        tpu.vector_store_idx %arg10[%get3A_355], %mul3A_353 {add = true} : memref<50048xf32, #tpu.memory_space<vmem>>[vector<16xi32>], vector<16xf32>,
        %mul3A_356 = arith.constant 5 : i32
        %mul3A_357 = arith.muli %scan3A_301, %mul3A_356 : i32
        %add3A_358 = arith.constant 4 : i32
        %add3A_359 = arith.addi %mul3A_357, %add3A_358 : i32
        %mul3A_360 = arith.constant 16 : i32
        %mul3A_361 = arith.muli %add3A_359, %mul3A_360 : i32
        %get3A_362 = arith.index_cast %mul3A_361 : i32 to index
        %get3A_363 = tpu.vector_load %arg13[%get3A_362] {strides = array<i32>} : memref<4000xf32, #tpu.memory_space<vmem>>, vector<16xf32>,
        %get3A_364 = arith.index_cast %mul3A_361 : i32 to index
        %get3A_365 = tpu.vector_load %arg11[%get3A_364] {strides = array<i32>} : memref<4000xi32, #tpu.memory_space<vmem>>, vector<16xi32>,
        %gather3A_366 = tpu.vector_load_idx %arg9[%get3A_365] : memref<50048xf32, #tpu.memory_space<vmem>>[vector<16xi32>], vector<16xf32>,
        %mul3A_367 = arith.mulf %gather3A_366, %get3A_363 : vector<16xf32>
        %get3A_368 = arith.index_cast %mul3A_361 : i32 to index
        %get3A_369 = tpu.vector_load %arg12[%get3A_368] {strides = array<i32>} : memref<4000xi32, #tpu.memory_space<vmem>>, vector<16xi32>,
        tpu.vector_store_idx %arg10[%get3A_369], %mul3A_367 {add = true} : memref<50048xf32, #tpu.memory_space<vmem>>[vector<16xi32>], vector<16xf32>,
      }
      %scan3A_277 = arith.constant 50 : i32
      %dma_wait3A_278 = arith.constant 0 : i32
      %dma_wait3A_279 = tpu.memref_slice %arg5[%dma_wait3A_278] : memref<800000xi32, #tpu.memory_space<hbm>> -> memref<4000xi32, #tpu.memory_space<hbm>>
      %dma_wait3A_280 = arith.constant 0 : i32
      %dma_wait3A_281 = tpu.memref_slice %arg5[%dma_wait3A_280] : memref<800000xi32, #tpu.memory_space<hbm>> -> memref<4000xi32, #tpu.memory_space<hbm>>
      tpu.wait_dma2 semaphore(%arg18 : memref<!tpu.dma_semaphore, #tpu.memory_space<semaphore_mem>>) src(%dma_wait3A_281 : memref<4000xi32, #tpu.memory_space<hbm>>) dst(%arg14 : memref<4000xi32, #tpu.memory_space<vmem>>)
      %dma_wait3A_282 = arith.constant 0 : i32
      %dma_wait3A_283 = tpu.memref_slice %arg6[%dma_wait3A_282] : memref<800000xi32, #tpu.memory_space<hbm>> -> memref<4000xi32, #tpu.memory_space<hbm>>
      %dma_wait3A_284 = arith.constant 0 : i32
      %dma_wait3A_285 = tpu.memref_slice %arg6[%dma_wait3A_284] : memref<800000xi32, #tpu.memory_space<hbm>> -> memref<4000xi32, #tpu.memory_space<hbm>>
      tpu.wait_dma2 semaphore(%arg18 : memref<!tpu.dma_semaphore, #tpu.memory_space<semaphore_mem>>) src(%dma_wait3A_285 : memref<4000xi32, #tpu.memory_space<hbm>>) dst(%arg15 : memref<4000xi32, #tpu.memory_space<vmem>>)
      %dma_wait3A_286 = arith.constant 0 : i32
      %dma_wait3A_287 = tpu.memref_slice %arg7[%dma_wait3A_286] : memref<6400000xf32, #tpu.memory_space<hbm>> -> memref<4000xf32, #tpu.memory_space<hbm>>
      %dma_wait3A_288 = arith.constant 0 : i32
      %dma_wait3A_289 = tpu.memref_slice %arg7[%dma_wait3A_288] : memref<6400000xf32, #tpu.memory_space<hbm>> -> memref<4000xf32, #tpu.memory_space<hbm>>
      tpu.wait_dma2 semaphore(%arg18 : memref<!tpu.dma_semaphore, #tpu.memory_space<semaphore_mem>>) src(%dma_wait3A_289 : memref<4000xf32, #tpu.memory_space<hbm>>) dst(%arg16 : memref<4000xf32, #tpu.memory_space<vmem>>)
      %add3A_290 = arith.constant 2 : i32
      %add3A_291 = arith.addi %add3A_247, %add3A_290 : i32
      %lt3A_292 = arith.constant 200 : i32
      %lt3A_293 = arith.cmpi slt, %add3A_291, %lt3A_292 : i32
      %convert_element_type3A = arith.extui %lt3A_293 : i1 to i32
      %cond3A = arith.constant 0 : i32
      %cond3A_294 = arith.cmpi ne, %convert_element_type3A, %cond3A : i32
      scf.if %cond3A_294 {
        %add3A_301 = arith.constant 2 : i32
        %add3A_302 = arith.addi %add3A_247, %add3A_301 : i32
        %mul3A_303 = arith.constant 4000 : i32
        %mul3A_304 = arith.muli %add3A_302, %mul3A_303 : i32
        %dma_start3A_305 = tpu.memref_slice %arg5[%mul3A_304] : memref<800000xi32, #tpu.memory_space<hbm>> -> memref<4000xi32, #tpu.memory_space<hbm>>
        %dma_start3A_306 = tpu.memref_slice %arg5[%mul3A_304] : memref<800000xi32, #tpu.memory_space<hbm>> -> memref<4000xi32, #tpu.memory_space<hbm>>
        tpu.enqueue_dma source(%dma_start3A_306 : memref<4000xi32, #tpu.memory_space<hbm>>) target(%arg11 : memref<4000xi32, #tpu.memory_space<vmem>>) target_semaphore(%arg17 : memref<!tpu.dma_semaphore, #tpu.memory_space<semaphore_mem>>)
        %dma_start3A_307 = tpu.memref_slice %arg6[%mul3A_304] : memref<800000xi32, #tpu.memory_space<hbm>> -> memref<4000xi32, #tpu.memory_space<hbm>>
        %dma_start3A_308 = tpu.memref_slice %arg6[%mul3A_304] : memref<800000xi32, #tpu.memory_space<hbm>> -> memref<4000xi32, #tpu.memory_space<hbm>>
        tpu.enqueue_dma source(%dma_start3A_308 : memref<4000xi32, #tpu.memory_space<hbm>>) target(%arg12 : memref<4000xi32, #tpu.memory_space<vmem>>) target_semaphore(%arg17 : memref<!tpu.dma_semaphore, #tpu.memory_space<semaphore_mem>>)
        %mul3A_309 = arith.constant 800000 : i32
        %mul3A_310 = arith.muli %add3A_144, %mul3A_309 : i32
        %add3A_311 = arith.addi %mul3A_310, %mul3A_304 : i32
        %dma_start3A_312 = tpu.memref_slice %arg7[%add3A_311] : memref<6400000xf32, #tpu.memory_space<hbm>> -> memref<4000xf32, #tpu.memory_space<hbm>>
        %dma_start3A_313 = tpu.memref_slice %arg7[%add3A_311] : memref<6400000xf32, #tpu.memory_space<hbm>> -> memref<4000xf32, #tpu.memory_space<hbm>>
        tpu.enqueue_dma source(%dma_start3A_313 : memref<4000xf32, #tpu.memory_space<hbm>>) target(%arg13 : memref<4000xf32, #tpu.memory_space<vmem>>) target_semaphore(%arg17 : memref<!tpu.dma_semaphore, #tpu.memory_space<semaphore_mem>>)
      } else {
      }
      %scan3A_295 = arith.constant 0 : i32
      %scan3A_296 = arith.constant 0 : i32
      %scan3A_297 = arith.constant 50 : i32
      %scan3A_298 = arith.addi %scan3A_296, %scan3A_297 : i32
      %scan3A_299 = arith.constant 1 : i32
      scf.for %scan3A_301 = %scan3A_296 to %scan3A_298 step %scan3A_299  : i32 {
        %mul3A_302 = arith.constant 5 : i32
        %mul3A_303 = arith.muli %scan3A_301, %mul3A_302 : i32
        %add3A_304 = arith.constant 0 : i32
        %add3A_305 = arith.addi %mul3A_303, %add3A_304 : i32
        %mul3A_306 = arith.constant 16 : i32
        %mul3A_307 = arith.muli %add3A_305, %mul3A_306 : i32
        %get3A = arith.index_cast %mul3A_307 : i32 to index
        %get3A_308 = tpu.vector_load %arg16[%get3A] {strides = array<i32>} : memref<4000xf32, #tpu.memory_space<vmem>>, vector<16xf32>,
        %get3A_309 = arith.index_cast %mul3A_307 : i32 to index
        %get3A_310 = tpu.vector_load %arg14[%get3A_309] {strides = array<i32>} : memref<4000xi32, #tpu.memory_space<vmem>>, vector<16xi32>,
        %gather3A = tpu.vector_load_idx %arg9[%get3A_310] : memref<50048xf32, #tpu.memory_space<vmem>>[vector<16xi32>], vector<16xf32>,
        %mul3A_311 = arith.mulf %gather3A, %get3A_308 : vector<16xf32>
        %get3A_312 = arith.index_cast %mul3A_307 : i32 to index
        %get3A_313 = tpu.vector_load %arg15[%get3A_312] {strides = array<i32>} : memref<4000xi32, #tpu.memory_space<vmem>>, vector<16xi32>,
        tpu.vector_store_idx %arg10[%get3A_313], %mul3A_311 {add = true} : memref<50048xf32, #tpu.memory_space<vmem>>[vector<16xi32>], vector<16xf32>,
        %mul3A_314 = arith.constant 5 : i32
        %mul3A_315 = arith.muli %scan3A_301, %mul3A_314 : i32
        %add3A_316 = arith.constant 1 : i32
        %add3A_317 = arith.addi %mul3A_315, %add3A_316 : i32
        %mul3A_318 = arith.constant 16 : i32
        %mul3A_319 = arith.muli %add3A_317, %mul3A_318 : i32
        %get3A_320 = arith.index_cast %mul3A_319 : i32 to index
        %get3A_321 = tpu.vector_load %arg16[%get3A_320] {strides = array<i32>} : memref<4000xf32, #tpu.memory_space<vmem>>, vector<16xf32>,
        %get3A_322 = arith.index_cast %mul3A_319 : i32 to index
        %get3A_323 = tpu.vector_load %arg14[%get3A_322] {strides = array<i32>} : memref<4000xi32, #tpu.memory_space<vmem>>, vector<16xi32>,
        %gather3A_324 = tpu.vector_load_idx %arg9[%get3A_323] : memref<50048xf32, #tpu.memory_space<vmem>>[vector<16xi32>], vector<16xf32>,
        %mul3A_325 = arith.mulf %gather3A_324, %get3A_321 : vector<16xf32>
        %get3A_326 = arith.index_cast %mul3A_319 : i32 to index
        %get3A_327 = tpu.vector_load %arg15[%get3A_326] {strides = array<i32>} : memref<4000xi32, #tpu.memory_space<vmem>>, vector<16xi32>,
        tpu.vector_store_idx %arg10[%get3A_327], %mul3A_325 {add = true} : memref<50048xf32, #tpu.memory_space<vmem>>[vector<16xi32>], vector<16xf32>,
        %mul3A_328 = arith.constant 5 : i32
        %mul3A_329 = arith.muli %scan3A_301, %mul3A_328 : i32
        %add3A_330 = arith.constant 2 : i32
        %add3A_331 = arith.addi %mul3A_329, %add3A_330 : i32
        %mul3A_332 = arith.constant 16 : i32
        %mul3A_333 = arith.muli %add3A_331, %mul3A_332 : i32
        %get3A_334 = arith.index_cast %mul3A_333 : i32 to index
        %get3A_335 = tpu.vector_load %arg16[%get3A_334] {strides = array<i32>} : memref<4000xf32, #tpu.memory_space<vmem>>, vector<16xf32>,
        %get3A_336 = arith.index_cast %mul3A_333 : i32 to index
        %get3A_337 = tpu.vector_load %arg14[%get3A_336] {strides = array<i32>} : memref<4000xi32, #tpu.memory_space<vmem>>, vector<16xi32>,
        %gather3A_338 = tpu.vector_load_idx %arg9[%get3A_337] : memref<50048xf32, #tpu.memory_space<vmem>>[vector<16xi32>], vector<16xf32>,
        %mul3A_339 = arith.mulf %gather3A_338, %get3A_335 : vector<16xf32>
        %get3A_340 = arith.index_cast %mul3A_333 : i32 to index
        %get3A_341 = tpu.vector_load %arg15[%get3A_340] {strides = array<i32>} : memref<4000xi32, #tpu.memory_space<vmem>>, vector<16xi32>,
        tpu.vector_store_idx %arg10[%get3A_341], %mul3A_339 {add = true} : memref<50048xf32, #tpu.memory_space<vmem>>[vector<16xi32>], vector<16xf32>,
        %mul3A_342 = arith.constant 5 : i32
        %mul3A_343 = arith.muli %scan3A_301, %mul3A_342 : i32
        %add3A_344 = arith.constant 3 : i32
        %add3A_345 = arith.addi %mul3A_343, %add3A_344 : i32
        %mul3A_346 = arith.constant 16 : i32
        %mul3A_347 = arith.muli %add3A_345, %mul3A_346 : i32
        %get3A_348 = arith.index_cast %mul3A_347 : i32 to index
        %get3A_349 = tpu.vector_load %arg16[%get3A_348] {strides = array<i32>} : memref<4000xf32, #tpu.memory_space<vmem>>, vector<16xf32>,
        %get3A_350 = arith.index_cast %mul3A_347 : i32 to index
        %get3A_351 = tpu.vector_load %arg14[%get3A_350] {strides = array<i32>} : memref<4000xi32, #tpu.memory_space<vmem>>, vector<16xi32>,
        %gather3A_352 = tpu.vector_load_idx %arg9[%get3A_351] : memref<50048xf32, #tpu.memory_space<vmem>>[vector<16xi32>], vector<16xf32>,
        %mul3A_353 = arith.mulf %gather3A_352, %get3A_349 : vector<16xf32>
        %get3A_354 = arith.index_cast %mul3A_347 : i32 to index
        %get3A_355 = tpu.vector_load %arg15[%get3A_354] {strides = array<i32>} : memref<4000xi32, #tpu.memory_space<vmem>>, vector<16xi32>,
        tpu.vector_store_idx %arg10[%get3A_355], %mul3A_353 {add = true} : memref<50048xf32, #tpu.memory_space<vmem>>[vector<16xi32>], vector<16xf32>,
        %mul3A_356 = arith.constant 5 : i32
        %mul3A_357 = arith.muli %scan3A_301, %mul3A_356 : i32
        %add3A_358 = arith.constant 4 : i32
        %add3A_359 = arith.addi %mul3A_357, %add3A_358 : i32
        %mul3A_360 = arith.constant 16 : i32
        %mul3A_361 = arith.muli %add3A_359, %mul3A_360 : i32
        %get3A_362 = arith.index_cast %mul3A_361 : i32 to index
        %get3A_363 = tpu.vector_load %arg16[%get3A_362] {strides = array<i32>} : memref<4000xf32, #tpu.memory_space<vmem>>, vector<16xf32>,
        %get3A_364 = arith.index_cast %mul3A_361 : i32 to index
        %get3A_365 = tpu.vector_load %arg14[%get3A_364] {strides = array<i32>} : memref<4000xi32, #tpu.memory_space<vmem>>, vector<16xi32>,
        %gather3A_366 = tpu.vector_load_idx %arg9[%get3A_365] : memref<50048xf32, #tpu.memory_space<vmem>>[vector<16xi32>], vector<16xf32>,
        %mul3A_367 = arith.mulf %gather3A_366, %get3A_363 : vector<16xf32>
        %get3A_368 = arith.index_cast %mul3A_361 : i32 to index
        %get3A_369 = tpu.vector_load %arg15[%get3A_368] {strides = array<i32>} : memref<4000xi32, #tpu.memory_space<vmem>>, vector<16xi32>,
        tpu.vector_store_idx %arg10[%get3A_369], %mul3A_367 {add = true} : memref<50048xf32, #tpu.memory_space<vmem>>[vector<16xi32>], vector<16xf32>,
      }
      %scan3A_300 = arith.constant 50 : i32
    }
    %scan3A_164 = arith.constant 100 : i32
    %mul3A_165 = arith.constant 48 : i32
    %mul3A_166 = arith.muli %arg0, %mul3A_165 : i32
    %add3A_167 = arith.addi %mul3A_166, %add3A_106 : i32
    %mul3A_168 = arith.constant 50048 : i32
    %mul3A_169 = arith.muli %add3A_167, %mul3A_168 : i32
    "tpu.region"() ({
      %run_scoped3A = tpu.sem_alloc : memref<!tpu.dma_semaphore, #tpu.memory_space<semaphore_mem>>
      %dma_start3A_243 = tpu.memref_slice %arg8[%mul3A_169] : memref<4804608xf32, #tpu.memory_space<hbm>> -> memref<50048xf32, #tpu.memory_space<hbm>>
      %dma_start3A_244 = tpu.memref_slice %arg8[%mul3A_169] : memref<4804608xf32, #tpu.memory_space<hbm>> -> memref<50048xf32, #tpu.memory_space<hbm>>
      tpu.enqueue_dma source(%arg10 : memref<50048xf32, #tpu.memory_space<vmem>>) target(%dma_start3A_244 : memref<50048xf32, #tpu.memory_space<hbm>>) target_semaphore(%run_scoped3A : memref<!tpu.dma_semaphore, #tpu.memory_space<semaphore_mem>>)
      %dma_wait3A = tpu.memref_slice %arg8[%mul3A_169] : memref<4804608xf32, #tpu.memory_space<hbm>> -> memref<50048xf32, #tpu.memory_space<hbm>>
      %dma_wait3A_245 = tpu.memref_slice %arg8[%mul3A_169] : memref<4804608xf32, #tpu.memory_space<hbm>> -> memref<50048xf32, #tpu.memory_space<hbm>>
      tpu.wait_dma2 semaphore(%run_scoped3A : memref<!tpu.dma_semaphore, #tpu.memory_space<semaphore_mem>>) src(%arg10 : memref<50048xf32, #tpu.memory_space<vmem>>) dst(%dma_wait3A_245 : memref<50048xf32, #tpu.memory_space<hbm>>)
      tpu.yield
    }) : () -> ()
    %scan3A_170 = arith.constant 0 : i32
    %scan3A_171 = arith.constant 0 : i32
    %scan3A_172 = arith.constant 3128 : i32
    %scan3A_173 = arith.addi %scan3A_171, %scan3A_172 : i32
    %scan3A_174 = arith.constant 1 : i32
    scf.for %scan3A_243 = %scan3A_171 to %scan3A_173 step %scan3A_174  : i32 {
      %mul3A_244 = arith.constant 16 : i32
      %mul3A_245 = arith.muli %scan3A_243, %mul3A_244 : i32
      %swap3A = arith.index_cast %mul3A_245 : i32 to index
      %swap3A_246 = tpu.vector_load %arg10[%swap3A] {strides = array<i32>} : memref<50048xf32, #tpu.memory_space<vmem>>, vector<16xf32>,
      tpu.vector_store %arg10[%swap3A], %broadcast_in_dim3A_40 {strides = array<i32>} : memref<50048xf32, #tpu.memory_space<vmem>>, vector<16xf32>,
    }
    %scan3A_175 = arith.constant 3128 : i32
    %jit3A_176 = arith.constant 4 : i32
    %eq3A_177 = arith.constant 0 : i32
    %eq3A_178 = arith.cmpi eq, %jit3A_176, %eq3A_177 : i32
    %jit3A_179 = arith.constant 1 : i32
    %select_n3A_180 = arith.select %eq3A_178, %jit3A_179, %jit3A_176 : i32
    %rem3A_181 = arith.remsi %arg1, %select_n3A_180 : i32
    %ne3A_182 = arith.constant 0 : i32
    %ne3A_183 = arith.cmpi ne, %rem3A_181, %ne3A_182 : i32
    %lt3A_184 = arith.constant 0 : i32
    %lt3A_185 = arith.cmpi slt, %rem3A_181, %lt3A_184 : i32
    %lt3A_186 = arith.constant 0 : i32
    %lt3A_187 = arith.cmpi slt, %select_n3A_180, %lt3A_186 : i32
    %ne3A_188 = arith.xori %lt3A_185, %lt3A_187 : i1
    %and3A_189 = arith.andi %ne3A_188, %ne3A_183 : i1
    %add3A_190 = arith.addi %rem3A_181, %select_n3A_180 : i32
    %select_n3A_191 = arith.select %and3A_189, %add3A_190, %rem3A_181 : i32
    %mul3A_192 = arith.constant 50 : i32
    %mul3A_193 = arith.muli %select_n3A_191, %mul3A_192 : i32
    %jit3A_194 = arith.constant 4 : i32
    %div3A_195 = arith.divsi %arg1, %jit3A_194 : i32
    %sign3A_196 = arith.constant 0 : i32
    %sign3A_197 = arith.cmpi sgt, %arg1, %sign3A_196 : i32
    %sign3A_198 = arith.extui %sign3A_197 : i1 to i32
    %sign3A_199 = arith.constant 0 : i32
    %sign3A_200 = arith.cmpi slt, %arg1, %sign3A_199 : i32
    %sign3A_201 = arith.extui %sign3A_200 : i1 to i32
    %sign3A_202 = arith.subi %sign3A_198, %sign3A_201 : i32
    %sign3A_203 = arith.constant 0 : i32
    %sign3A_204 = arith.cmpi sgt, %jit3A_194, %sign3A_203 : i32
    %sign3A_205 = arith.extui %sign3A_204 : i1 to i32
    %sign3A_206 = arith.constant 0 : i32
    %sign3A_207 = arith.cmpi slt, %jit3A_194, %sign3A_206 : i32
    %sign3A_208 = arith.extui %sign3A_207 : i1 to i32
    %sign3A_209 = arith.subi %sign3A_205, %sign3A_208 : i32
    %ne3A_210 = arith.cmpi ne, %sign3A_202, %sign3A_209 : i32
    %rem3A_211 = arith.remsi %arg1, %jit3A_194 : i32
    %ne3A_212 = arith.constant 0 : i32
    %ne3A_213 = arith.cmpi ne, %rem3A_211, %ne3A_212 : i32
    %and3A_214 = arith.andi %ne3A_210, %ne3A_213 : i1
    %sub3A_215 = arith.constant 1 : i32
    %sub3A_216 = arith.subi %div3A_195, %sub3A_215 : i32
    %select_n3A_217 = arith.select %and3A_214, %sub3A_216, %div3A_195 : i32
    %mul3A_218 = arith.constant 4 : i32
    %mul3A_219 = arith.muli %arg0, %mul3A_218 : i32
    %add3A_220 = arith.addi %select_n3A_217, %mul3A_219 : i32
    %mul3A_221 = arith.constant 4000 : i32
    %mul3A_222 = arith.muli %mul3A_193, %mul3A_221 : i32
    %dma_start3A_223 = tpu.memref_slice %arg6[%mul3A_222] : memref<800000xi32, #tpu.memory_space<hbm>> -> memref<4000xi32, #tpu.memory_space<hbm>>
    %dma_start3A_224 = tpu.memref_slice %arg6[%mul3A_222] : memref<800000xi32, #tpu.memory_space<hbm>> -> memref<4000xi32, #tpu.memory_space<hbm>>
    tpu.enqueue_dma source(%dma_start3A_224 : memref<4000xi32, #tpu.memory_space<hbm>>) target(%arg12 : memref<4000xi32, #tpu.memory_space<vmem>>) target_semaphore(%arg17 : memref<!tpu.dma_semaphore, #tpu.memory_space<semaphore_mem>>)
    %mul3A_225 = arith.constant 800000 : i32
    %mul3A_226 = arith.muli %add3A_220, %mul3A_225 : i32
    %add3A_227 = arith.addi %mul3A_226, %mul3A_222 : i32
    %dma_start3A_228 = tpu.memref_slice %arg7[%add3A_227] : memref<6400000xf32, #tpu.memory_space<hbm>> -> memref<4000xf32, #tpu.memory_space<hbm>>
    %dma_start3A_229 = tpu.memref_slice %arg7[%add3A_227] : memref<6400000xf32, #tpu.memory_space<hbm>> -> memref<4000xf32, #tpu.memory_space<hbm>>
    tpu.enqueue_dma source(%dma_start3A_229 : memref<4000xf32, #tpu.memory_space<hbm>>) target(%arg13 : memref<4000xf32, #tpu.memory_space<vmem>>) target_semaphore(%arg17 : memref<!tpu.dma_semaphore, #tpu.memory_space<semaphore_mem>>)
    %scan3A_230 = arith.constant 0 : i32
    %scan3A_231 = arith.constant 0 : i32
    %scan3A_232 = arith.constant 25 : i32
    %scan3A_233 = arith.addi %scan3A_231, %scan3A_232 : i32
    %scan3A_234 = arith.constant 1 : i32
    scf.for %scan3A_243 = %scan3A_231 to %scan3A_233 step %scan3A_234  : i32 {
      %mul3A_244 = arith.constant 2 : i32
      %mul3A_245 = arith.muli %scan3A_243, %mul3A_244 : i32
      %add3A_246 = arith.addi %mul3A_193, %mul3A_245 : i32
      %dma_wait3A = arith.constant 0 : i32
      %dma_wait3A_247 = tpu.memref_slice %arg6[%dma_wait3A] : memref<800000xi32, #tpu.memory_space<hbm>> -> memref<4000xi32, #tpu.memory_space<hbm>>
      %dma_wait3A_248 = arith.constant 0 : i32
      %dma_wait3A_249 = tpu.memref_slice %arg6[%dma_wait3A_248] : memref<800000xi32, #tpu.memory_space<hbm>> -> memref<4000xi32, #tpu.memory_space<hbm>>
      tpu.wait_dma2 semaphore(%arg17 : memref<!tpu.dma_semaphore, #tpu.memory_space<semaphore_mem>>) src(%dma_wait3A_249 : memref<4000xi32, #tpu.memory_space<hbm>>) dst(%arg12 : memref<4000xi32, #tpu.memory_space<vmem>>)
      %dma_wait3A_250 = arith.constant 0 : i32
      %dma_wait3A_251 = tpu.memref_slice %arg7[%dma_wait3A_250] : memref<6400000xf32, #tpu.memory_space<hbm>> -> memref<4000xf32, #tpu.memory_space<hbm>>
      %dma_wait3A_252 = arith.constant 0 : i32
      %dma_wait3A_253 = tpu.memref_slice %arg7[%dma_wait3A_252] : memref<6400000xf32, #tpu.memory_space<hbm>> -> memref<4000xf32, #tpu.memory_space<hbm>>
      tpu.wait_dma2 semaphore(%arg17 : memref<!tpu.dma_semaphore, #tpu.memory_space<semaphore_mem>>) src(%dma_wait3A_253 : memref<4000xf32, #tpu.memory_space<hbm>>) dst(%arg13 : memref<4000xf32, #tpu.memory_space<vmem>>)
      %add3A_254 = arith.constant 1 : i32
      %add3A_255 = arith.addi %add3A_246, %add3A_254 : i32
      %mul3A_256 = arith.constant 4000 : i32
      %mul3A_257 = arith.muli %add3A_255, %mul3A_256 : i32
      %dma_start3A_258 = tpu.memref_slice %arg6[%mul3A_257] : memref<800000xi32, #tpu.memory_space<hbm>> -> memref<4000xi32, #tpu.memory_space<hbm>>
      %dma_start3A_259 = tpu.memref_slice %arg6[%mul3A_257] : memref<800000xi32, #tpu.memory_space<hbm>> -> memref<4000xi32, #tpu.memory_space<hbm>>
      tpu.enqueue_dma source(%dma_start3A_259 : memref<4000xi32, #tpu.memory_space<hbm>>) target(%arg15 : memref<4000xi32, #tpu.memory_space<vmem>>) target_semaphore(%arg18 : memref<!tpu.dma_semaphore, #tpu.memory_space<semaphore_mem>>)
      %mul3A_260 = arith.constant 800000 : i32
      %mul3A_261 = arith.muli %add3A_220, %mul3A_260 : i32
      %add3A_262 = arith.addi %mul3A_261, %mul3A_257 : i32
      %dma_start3A_263 = tpu.memref_slice %arg7[%add3A_262] : memref<6400000xf32, #tpu.memory_space<hbm>> -> memref<4000xf32, #tpu.memory_space<hbm>>
      %dma_start3A_264 = tpu.memref_slice %arg7[%add3A_262] : memref<6400000xf32, #tpu.memory_space<hbm>> -> memref<4000xf32, #tpu.memory_space<hbm>>
      tpu.enqueue_dma source(%dma_start3A_264 : memref<4000xf32, #tpu.memory_space<hbm>>) target(%arg16 : memref<4000xf32, #tpu.memory_space<vmem>>) target_semaphore(%arg18 : memref<!tpu.dma_semaphore, #tpu.memory_space<semaphore_mem>>)
      %scan3A_265 = arith.constant 0 : i32
      %scan3A_266 = arith.constant 0 : i32
      %scan3A_267 = arith.constant 50 : i32
      %scan3A_268 = arith.addi %scan3A_266, %scan3A_267 : i32
      %scan3A_269 = arith.constant 1 : i32
      scf.for %scan3A_291 = %scan3A_266 to %scan3A_268 step %scan3A_269  : i32 {
        %mul3A_292 = arith.constant 5 : i32
        %mul3A_293 = arith.muli %scan3A_291, %mul3A_292 : i32
        %add3A_294 = arith.constant 0 : i32
        %add3A_295 = arith.addi %mul3A_293, %add3A_294 : i32
        %mul3A_296 = arith.constant 16 : i32
        %mul3A_297 = arith.muli %add3A_295, %mul3A_296 : i32
        %get3A = arith.index_cast %mul3A_297 : i32 to index
        %get3A_298 = tpu.vector_load %arg13[%get3A] {strides = array<i32>} : memref<4000xf32, #tpu.memory_space<vmem>>, vector<16xf32>,
        %get3A_299 = arith.index_cast %mul3A_297 : i32 to index
        %get3A_300 = tpu.vector_load %arg12[%get3A_299] {strides = array<i32>} : memref<4000xi32, #tpu.memory_space<vmem>>, vector<16xi32>,
        tpu.vector_store_idx %arg10[%get3A_300], %get3A_298 {add = true} : memref<50048xf32, #tpu.memory_space<vmem>>[vector<16xi32>], vector<16xf32>,
        %mul3A_301 = arith.constant 5 : i32
        %mul3A_302 = arith.muli %scan3A_291, %mul3A_301 : i32
        %add3A_303 = arith.constant 1 : i32
        %add3A_304 = arith.addi %mul3A_302, %add3A_303 : i32
        %mul3A_305 = arith.constant 16 : i32
        %mul3A_306 = arith.muli %add3A_304, %mul3A_305 : i32
        %get3A_307 = arith.index_cast %mul3A_306 : i32 to index
        %get3A_308 = tpu.vector_load %arg13[%get3A_307] {strides = array<i32>} : memref<4000xf32, #tpu.memory_space<vmem>>, vector<16xf32>,
        %get3A_309 = arith.index_cast %mul3A_306 : i32 to index
        %get3A_310 = tpu.vector_load %arg12[%get3A_309] {strides = array<i32>} : memref<4000xi32, #tpu.memory_space<vmem>>, vector<16xi32>,
        tpu.vector_store_idx %arg10[%get3A_310], %get3A_308 {add = true} : memref<50048xf32, #tpu.memory_space<vmem>>[vector<16xi32>], vector<16xf32>,
        %mul3A_311 = arith.constant 5 : i32
        %mul3A_312 = arith.muli %scan3A_291, %mul3A_311 : i32
        %add3A_313 = arith.constant 2 : i32
        %add3A_314 = arith.addi %mul3A_312, %add3A_313 : i32
        %mul3A_315 = arith.constant 16 : i32
        %mul3A_316 = arith.muli %add3A_314, %mul3A_315 : i32
        %get3A_317 = arith.index_cast %mul3A_316 : i32 to index
        %get3A_318 = tpu.vector_load %arg13[%get3A_317] {strides = array<i32>} : memref<4000xf32, #tpu.memory_space<vmem>>, vector<16xf32>,
        %get3A_319 = arith.index_cast %mul3A_316 : i32 to index
        %get3A_320 = tpu.vector_load %arg12[%get3A_319] {strides = array<i32>} : memref<4000xi32, #tpu.memory_space<vmem>>, vector<16xi32>,
        tpu.vector_store_idx %arg10[%get3A_320], %get3A_318 {add = true} : memref<50048xf32, #tpu.memory_space<vmem>>[vector<16xi32>], vector<16xf32>,
        %mul3A_321 = arith.constant 5 : i32
        %mul3A_322 = arith.muli %scan3A_291, %mul3A_321 : i32
        %add3A_323 = arith.constant 3 : i32
        %add3A_324 = arith.addi %mul3A_322, %add3A_323 : i32
        %mul3A_325 = arith.constant 16 : i32
        %mul3A_326 = arith.muli %add3A_324, %mul3A_325 : i32
        %get3A_327 = arith.index_cast %mul3A_326 : i32 to index
        %get3A_328 = tpu.vector_load %arg13[%get3A_327] {strides = array<i32>} : memref<4000xf32, #tpu.memory_space<vmem>>, vector<16xf32>,
        %get3A_329 = arith.index_cast %mul3A_326 : i32 to index
        %get3A_330 = tpu.vector_load %arg12[%get3A_329] {strides = array<i32>} : memref<4000xi32, #tpu.memory_space<vmem>>, vector<16xi32>,
        tpu.vector_store_idx %arg10[%get3A_330], %get3A_328 {add = true} : memref<50048xf32, #tpu.memory_space<vmem>>[vector<16xi32>], vector<16xf32>,
        %mul3A_331 = arith.constant 5 : i32
        %mul3A_332 = arith.muli %scan3A_291, %mul3A_331 : i32
        %add3A_333 = arith.constant 4 : i32
        %add3A_334 = arith.addi %mul3A_332, %add3A_333 : i32
        %mul3A_335 = arith.constant 16 : i32
        %mul3A_336 = arith.muli %add3A_334, %mul3A_335 : i32
        %get3A_337 = arith.index_cast %mul3A_336 : i32 to index
        %get3A_338 = tpu.vector_load %arg13[%get3A_337] {strides = array<i32>} : memref<4000xf32, #tpu.memory_space<vmem>>, vector<16xf32>,
        %get3A_339 = arith.index_cast %mul3A_336 : i32 to index
        %get3A_340 = tpu.vector_load %arg12[%get3A_339] {strides = array<i32>} : memref<4000xi32, #tpu.memory_space<vmem>>, vector<16xi32>,
        tpu.vector_store_idx %arg10[%get3A_340], %get3A_338 {add = true} : memref<50048xf32, #tpu.memory_space<vmem>>[vector<16xi32>], vector<16xf32>,
      }
      %scan3A_270 = arith.constant 50 : i32
      %dma_wait3A_271 = arith.constant 0 : i32
      %dma_wait3A_272 = tpu.memref_slice %arg6[%dma_wait3A_271] : memref<800000xi32, #tpu.memory_space<hbm>> -> memref<4000xi32, #tpu.memory_space<hbm>>
      %dma_wait3A_273 = arith.constant 0 : i32
      %dma_wait3A_274 = tpu.memref_slice %arg6[%dma_wait3A_273] : memref<800000xi32, #tpu.memory_space<hbm>> -> memref<4000xi32, #tpu.memory_space<hbm>>
      tpu.wait_dma2 semaphore(%arg18 : memref<!tpu.dma_semaphore, #tpu.memory_space<semaphore_mem>>) src(%dma_wait3A_274 : memref<4000xi32, #tpu.memory_space<hbm>>) dst(%arg15 : memref<4000xi32, #tpu.memory_space<vmem>>)
      %dma_wait3A_275 = arith.constant 0 : i32
      %dma_wait3A_276 = tpu.memref_slice %arg7[%dma_wait3A_275] : memref<6400000xf32, #tpu.memory_space<hbm>> -> memref<4000xf32, #tpu.memory_space<hbm>>
      %dma_wait3A_277 = arith.constant 0 : i32
      %dma_wait3A_278 = tpu.memref_slice %arg7[%dma_wait3A_277] : memref<6400000xf32, #tpu.memory_space<hbm>> -> memref<4000xf32, #tpu.memory_space<hbm>>
      tpu.wait_dma2 semaphore(%arg18 : memref<!tpu.dma_semaphore, #tpu.memory_space<semaphore_mem>>) src(%dma_wait3A_278 : memref<4000xf32, #tpu.memory_space<hbm>>) dst(%arg16 : memref<4000xf32, #tpu.memory_space<vmem>>)
      %add3A_279 = arith.constant 2 : i32
      %add3A_280 = arith.addi %add3A_246, %add3A_279 : i32
      %add3A_281 = arith.constant 50 : i32
      %add3A_282 = arith.addi %mul3A_193, %add3A_281 : i32
      %lt3A_283 = arith.cmpi slt, %add3A_280, %add3A_282 : i32
      %convert_element_type3A = arith.extui %lt3A_283 : i1 to i32
      %cond3A = arith.constant 0 : i32
      %cond3A_284 = arith.cmpi ne, %convert_element_type3A, %cond3A : i32
      scf.if %cond3A_284 {
        %add3A_291 = arith.constant 2 : i32
        %add3A_292 = arith.addi %add3A_246, %add3A_291 : i32
        %mul3A_293 = arith.constant 4000 : i32
        %mul3A_294 = arith.muli %add3A_292, %mul3A_293 : i32
        %dma_start3A_295 = tpu.memref_slice %arg6[%mul3A_294] : memref<800000xi32, #tpu.memory_space<hbm>> -> memref<4000xi32, #tpu.memory_space<hbm>>
        %dma_start3A_296 = tpu.memref_slice %arg6[%mul3A_294] : memref<800000xi32, #tpu.memory_space<hbm>> -> memref<4000xi32, #tpu.memory_space<hbm>>
        tpu.enqueue_dma source(%dma_start3A_296 : memref<4000xi32, #tpu.memory_space<hbm>>) target(%arg12 : memref<4000xi32, #tpu.memory_space<vmem>>) target_semaphore(%arg17 : memref<!tpu.dma_semaphore, #tpu.memory_space<semaphore_mem>>)
        %mul3A_297 = arith.constant 800000 : i32
        %mul3A_298 = arith.muli %add3A_220, %mul3A_297 : i32
        %add3A_299 = arith.addi %mul3A_298, %mul3A_294 : i32
        %dma_start3A_300 = tpu.memref_slice %arg7[%add3A_299] : memref<6400000xf32, #tpu.memory_space<hbm>> -> memref<4000xf32, #tpu.memory_space<hbm>>
        %dma_start3A_301 = tpu.memref_slice %arg7[%add3A_299] : memref<6400000xf32, #tpu.memory_space<hbm>> -> memref<4000xf32, #tpu.memory_space<hbm>>
        tpu.enqueue_dma source(%dma_start3A_301 : memref<4000xf32, #tpu.memory_space<hbm>>) target(%arg13 : memref<4000xf32, #tpu.memory_space<vmem>>) target_semaphore(%arg17 : memref<!tpu.dma_semaphore, #tpu.memory_space<semaphore_mem>>)
      } else {
      }
      %scan3A_285 = arith.constant 0 : i32
      %scan3A_286 = arith.constant 0 : i32
      %scan3A_287 = arith.constant 50 : i32
      %scan3A_288 = arith.addi %scan3A_286, %scan3A_287 : i32
      %scan3A_289 = arith.constant 1 : i32
      scf.for %scan3A_291 = %scan3A_286 to %scan3A_288 step %scan3A_289  : i32 {
        %mul3A_292 = arith.constant 5 : i32
        %mul3A_293 = arith.muli %scan3A_291, %mul3A_292 : i32
        %add3A_294 = arith.constant 0 : i32
        %add3A_295 = arith.addi %mul3A_293, %add3A_294 : i32
        %mul3A_296 = arith.constant 16 : i32
        %mul3A_297 = arith.muli %add3A_295, %mul3A_296 : i32
        %get3A = arith.index_cast %mul3A_297 : i32 to index
        %get3A_298 = tpu.vector_load %arg16[%get3A] {strides = array<i32>} : memref<4000xf32, #tpu.memory_space<vmem>>, vector<16xf32>,
        %get3A_299 = arith.index_cast %mul3A_297 : i32 to index
        %get3A_300 = tpu.vector_load %arg15[%get3A_299] {strides = array<i32>} : memref<4000xi32, #tpu.memory_space<vmem>>, vector<16xi32>,
        tpu.vector_store_idx %arg10[%get3A_300], %get3A_298 {add = true} : memref<50048xf32, #tpu.memory_space<vmem>>[vector<16xi32>], vector<16xf32>,
        %mul3A_301 = arith.constant 5 : i32
        %mul3A_302 = arith.muli %scan3A_291, %mul3A_301 : i32
        %add3A_303 = arith.constant 1 : i32
        %add3A_304 = arith.addi %mul3A_302, %add3A_303 : i32
        %mul3A_305 = arith.constant 16 : i32
        %mul3A_306 = arith.muli %add3A_304, %mul3A_305 : i32
        %get3A_307 = arith.index_cast %mul3A_306 : i32 to index
        %get3A_308 = tpu.vector_load %arg16[%get3A_307] {strides = array<i32>} : memref<4000xf32, #tpu.memory_space<vmem>>, vector<16xf32>,
        %get3A_309 = arith.index_cast %mul3A_306 : i32 to index
        %get3A_310 = tpu.vector_load %arg15[%get3A_309] {strides = array<i32>} : memref<4000xi32, #tpu.memory_space<vmem>>, vector<16xi32>,
        tpu.vector_store_idx %arg10[%get3A_310], %get3A_308 {add = true} : memref<50048xf32, #tpu.memory_space<vmem>>[vector<16xi32>], vector<16xf32>,
        %mul3A_311 = arith.constant 5 : i32
        %mul3A_312 = arith.muli %scan3A_291, %mul3A_311 : i32
        %add3A_313 = arith.constant 2 : i32
        %add3A_314 = arith.addi %mul3A_312, %add3A_313 : i32
        %mul3A_315 = arith.constant 16 : i32
        %mul3A_316 = arith.muli %add3A_314, %mul3A_315 : i32
        %get3A_317 = arith.index_cast %mul3A_316 : i32 to index
        %get3A_318 = tpu.vector_load %arg16[%get3A_317] {strides = array<i32>} : memref<4000xf32, #tpu.memory_space<vmem>>, vector<16xf32>,
        %get3A_319 = arith.index_cast %mul3A_316 : i32 to index
        %get3A_320 = tpu.vector_load %arg15[%get3A_319] {strides = array<i32>} : memref<4000xi32, #tpu.memory_space<vmem>>, vector<16xi32>,
        tpu.vector_store_idx %arg10[%get3A_320], %get3A_318 {add = true} : memref<50048xf32, #tpu.memory_space<vmem>>[vector<16xi32>], vector<16xf32>,
        %mul3A_321 = arith.constant 5 : i32
        %mul3A_322 = arith.muli %scan3A_291, %mul3A_321 : i32
        %add3A_323 = arith.constant 3 : i32
        %add3A_324 = arith.addi %mul3A_322, %add3A_323 : i32
        %mul3A_325 = arith.constant 16 : i32
        %mul3A_326 = arith.muli %add3A_324, %mul3A_325 : i32
        %get3A_327 = arith.index_cast %mul3A_326 : i32 to index
        %get3A_328 = tpu.vector_load %arg16[%get3A_327] {strides = array<i32>} : memref<4000xf32, #tpu.memory_space<vmem>>, vector<16xf32>,
        %get3A_329 = arith.index_cast %mul3A_326 : i32 to index
        %get3A_330 = tpu.vector_load %arg15[%get3A_329] {strides = array<i32>} : memref<4000xi32, #tpu.memory_space<vmem>>, vector<16xi32>,
        tpu.vector_store_idx %arg10[%get3A_330], %get3A_328 {add = true} : memref<50048xf32, #tpu.memory_space<vmem>>[vector<16xi32>], vector<16xf32>,
        %mul3A_331 = arith.constant 5 : i32
        %mul3A_332 = arith.muli %scan3A_291, %mul3A_331 : i32
        %add3A_333 = arith.constant 4 : i32
        %add3A_334 = arith.addi %mul3A_332, %add3A_333 : i32
        %mul3A_335 = arith.constant 16 : i32
        %mul3A_336 = arith.muli %add3A_334, %mul3A_335 : i32
        %get3A_337 = arith.index_cast %mul3A_336 : i32 to index
        %get3A_338 = tpu.vector_load %arg16[%get3A_337] {strides = array<i32>} : memref<4000xf32, #tpu.memory_space<vmem>>, vector<16xf32>,
        %get3A_339 = arith.index_cast %mul3A_336 : i32 to index
        %get3A_340 = tpu.vector_load %arg15[%get3A_339] {strides = array<i32>} : memref<4000xi32, #tpu.memory_space<vmem>>, vector<16xi32>,
        tpu.vector_store_idx %arg10[%get3A_340], %get3A_338 {add = true} : memref<50048xf32, #tpu.memory_space<vmem>>[vector<16xi32>], vector<16xf32>,
      }
      %scan3A_290 = arith.constant 50 : i32
    }
    %scan3A_235 = arith.constant 25 : i32
    %mul3A_236 = arith.constant 48 : i32
    %mul3A_237 = arith.muli %arg0, %mul3A_236 : i32
    %add3A_238 = arith.constant 32 : i32
    %add3A_239 = arith.addi %mul3A_237, %add3A_238 : i32
    %add3A_240 = arith.addi %add3A_239, %arg1 : i32
    %mul3A_241 = arith.constant 50048 : i32
    %mul3A_242 = arith.muli %add3A_240, %mul3A_241 : i32
    "tpu.region"() ({
      %run_scoped3A = tpu.sem_alloc : memref<!tpu.dma_semaphore, #tpu.memory_space<semaphore_mem>>
      %dma_start3A_243 = tpu.memref_slice %arg8[%mul3A_242] : memref<4804608xf32, #tpu.memory_space<hbm>> -> memref<50048xf32, #tpu.memory_space<hbm>>
      %dma_start3A_244 = tpu.memref_slice %arg8[%mul3A_242] : memref<4804608xf32, #tpu.memory_space<hbm>> -> memref<50048xf32, #tpu.memory_space<hbm>>
      tpu.enqueue_dma source(%arg10 : memref<50048xf32, #tpu.memory_space<vmem>>) target(%dma_start3A_244 : memref<50048xf32, #tpu.memory_space<hbm>>) target_semaphore(%run_scoped3A : memref<!tpu.dma_semaphore, #tpu.memory_space<semaphore_mem>>)
      %dma_wait3A = tpu.memref_slice %arg8[%mul3A_242] : memref<4804608xf32, #tpu.memory_space<hbm>> -> memref<50048xf32, #tpu.memory_space<hbm>>
      %dma_wait3A_245 = tpu.memref_slice %arg8[%mul3A_242] : memref<4804608xf32, #tpu.memory_space<hbm>> -> memref<50048xf32, #tpu.memory_space<hbm>>
      tpu.wait_dma2 semaphore(%run_scoped3A : memref<!tpu.dma_semaphore, #tpu.memory_space<semaphore_mem>>) src(%arg10 : memref<50048xf32, #tpu.memory_space<vmem>>) dst(%dma_wait3A_245 : memref<50048xf32, #tpu.memory_space<hbm>>)
      tpu.yield
    }) : () -> ()
    return
  }
}

module attributes {stable_mosaic.version = 14 : i64} {
  func.func @_proj_body(%arg0: i32, %arg1: memref<1000x64xf32, #tpu.memory_space<vmem>>, %arg2: memref<64x64xf32, #tpu.memory_space<vmem>>, %arg3: memref<64x8xf32, #tpu.memory_space<vmem>>, %arg4: memref<64x8xf32, #tpu.memory_space<vmem>>, %arg5: memref<1000x64xf32, #tpu.memory_space<vmem>>, %arg6: memref<1000x8xf32, #tpu.memory_space<vmem>>, %arg7: memref<1000x8xf32, #tpu.memory_space<vmem>>) attributes {dimension_semantics = [#tpu.dimension_semantics<arbitrary>], iteration_bounds = array<i64: 50>, scalar_prefetch = 0 : i64, scratch_operands = 0 : i64, tpu.core_type = #tpu.core_type<tc>, window_params = [{transform_indices = @transform_0, window_bounds = array<i64: 1000, 64>}, {pipeline_mode = #tpu.pipeline_mode<synchronous>, transform_indices = @transform_1, window_bounds = array<i64: 64, 64>}, {pipeline_mode = #tpu.pipeline_mode<synchronous>, transform_indices = @transform_2, window_bounds = array<i64: 64, 8>}, {pipeline_mode = #tpu.pipeline_mode<synchronous>, transform_indices = @transform_3, window_bounds = array<i64: 64, 8>}, {transform_indices = @transform_4, window_bounds = array<i64: 1000, 64>}, {transform_indices = @transform_5, window_bounds = array<i64: 1000, 8>}, {transform_indices = @transform_6, window_bounds = array<i64: 1000, 8>}]} {
    %get3A = arith.constant 0 : index
    %get3A_0 = arith.constant 0 : index
    %get3A_1 = vector.load %arg1[%get3A, %get3A_0] : memref<1000x64xf32, #tpu.memory_space<vmem>>, vector<1000x64xf32>
    %get3A_2 = arith.constant 0 : index
    %get3A_3 = arith.constant 0 : index
    %get3A_4 = vector.load %arg2[%get3A_2, %get3A_3] : memref<64x64xf32, #tpu.memory_space<vmem>>, vector<64x64xf32>
    %dot_general3A = arith.constant dense<0.000000e+00> : vector<1000x64xf32>
    %dot_general3A_5 = tpu.matmul %get3A_1, %get3A_4, %dot_general3A {dimension_numbers = #tpu.dot_dimension_numbers<[1], [0], [0], [1], [0, 0, 1, 1], [], []>, transpose_lhs_hint = false} : vector<1000x64xf32>, vector<64x64xf32>, vector<1000x64xf32> -> vector<1000x64xf32>
    %swap3A = arith.constant 0 : index
    %swap3A_6 = arith.constant 0 : index
    %swap3A_7 = vector.load %arg5[%swap3A, %swap3A_6] : memref<1000x64xf32, #tpu.memory_space<vmem>>, vector<1000x64xf32>
    tpu.vector_store %arg5[%swap3A, %swap3A_6], %dot_general3A_5 {strides = array<i32>} : memref<1000x64xf32, #tpu.memory_space<vmem>>, vector<1000x64xf32>,
    %get3A_8 = arith.constant 0 : index
    %get3A_9 = arith.constant 0 : index
    %get3A_10 = vector.load %arg3[%get3A_8, %get3A_9] : memref<64x8xf32, #tpu.memory_space<vmem>>, vector<64x8xf32>
    %dot_general3A_11 = arith.constant dense<0.000000e+00> : vector<1000x8xf32>
    %dot_general3A_12 = tpu.matmul %get3A_1, %get3A_10, %dot_general3A_11 {dimension_numbers = #tpu.dot_dimension_numbers<[1], [0], [0], [1], [0, 0, 1, 1], [], []>, transpose_lhs_hint = false} : vector<1000x64xf32>, vector<64x8xf32>, vector<1000x8xf32> -> vector<1000x8xf32>
    %swap3A_13 = arith.constant 0 : index
    %swap3A_14 = arith.constant 0 : index
    %swap3A_15 = vector.load %arg6[%swap3A_13, %swap3A_14] : memref<1000x8xf32, #tpu.memory_space<vmem>>, vector<1000x8xf32>
    tpu.vector_store %arg6[%swap3A_13, %swap3A_14], %dot_general3A_12 {strides = array<i32>} : memref<1000x8xf32, #tpu.memory_space<vmem>>, vector<1000x8xf32>,
    %get3A_16 = arith.constant 0 : index
    %get3A_17 = arith.constant 0 : index
    %get3A_18 = vector.load %arg4[%get3A_16, %get3A_17] : memref<64x8xf32, #tpu.memory_space<vmem>>, vector<64x8xf32>
    %dot_general3A_19 = arith.constant dense<0.000000e+00> : vector<1000x8xf32>
    %dot_general3A_20 = tpu.matmul %get3A_1, %get3A_18, %dot_general3A_19 {dimension_numbers = #tpu.dot_dimension_numbers<[1], [0], [0], [1], [0, 0, 1, 1], [], []>, transpose_lhs_hint = false} : vector<1000x64xf32>, vector<64x8xf32>, vector<1000x8xf32> -> vector<1000x8xf32>
    %swap3A_21 = arith.constant 0 : index
    %swap3A_22 = arith.constant 0 : index
    %swap3A_23 = vector.load %arg7[%swap3A_21, %swap3A_22] : memref<1000x8xf32, #tpu.memory_space<vmem>>, vector<1000x8xf32>
    tpu.vector_store %arg7[%swap3A_21, %swap3A_22], %dot_general3A_20 {strides = array<i32>} : memref<1000x8xf32, #tpu.memory_space<vmem>>, vector<1000x8xf32>,
    return
  }
  func.func @transform_0(%arg0: i32) -> (i32, i32) {
    %c0_i32 = arith.constant 0 : i32
    %c0_i32_0 = arith.constant 0 : i32
    return %arg0, %c0_i32 : i32, i32
  }
  func.func @transform_1(%arg0: i32) -> (i32, i32) {
    %c0_i32 = arith.constant 0 : i32
    %c0_i32_0 = arith.constant 0 : i32
    %c0_i32_1 = arith.constant 0 : i32
    return %c0_i32, %c0_i32_0 : i32, i32
  }
  func.func @transform_2(%arg0: i32) -> (i32, i32) {
    %c0_i32 = arith.constant 0 : i32
    %c0_i32_0 = arith.constant 0 : i32
    %c0_i32_1 = arith.constant 0 : i32
    return %c0_i32, %c0_i32_0 : i32, i32
  }
  func.func @transform_3(%arg0: i32) -> (i32, i32) {
    %c0_i32 = arith.constant 0 : i32
    %c0_i32_0 = arith.constant 0 : i32
    %c0_i32_1 = arith.constant 0 : i32
    return %c0_i32, %c0_i32_0 : i32, i32
  }
  func.func @transform_4(%arg0: i32) -> (i32, i32) {
    %c0_i32 = arith.constant 0 : i32
    %c0_i32_0 = arith.constant 0 : i32
    return %arg0, %c0_i32 : i32, i32
  }
  func.func @transform_5(%arg0: i32) -> (i32, i32) {
    %c0_i32 = arith.constant 0 : i32
    %c0_i32_0 = arith.constant 0 : i32
    return %arg0, %c0_i32 : i32, i32
  }
  func.func @transform_6(%arg0: i32) -> (i32, i32) {
    %c0_i32 = arith.constant 0 : i32
    %c0_i32_0 = arith.constant 0 : i32
    return %arg0, %c0_i32 : i32, i32
  }
}

module attributes {stable_mosaic.version = 14 : i64} {
  func.func @_final_body(%arg0: i32, %arg1: memref<1000x96xf32, #tpu.memory_space<vmem>>, %arg2: memref<1000x64xf32, #tpu.memory_space<vmem>>, %arg3: memref<64x64xf32, #tpu.memory_space<vmem>>, %arg4: memref<1x64xf32, #tpu.memory_space<vmem>>, %arg5: memref<1x1xf32, #tpu.memory_space<vmem>>, %arg6: memref<1x64xf32, #tpu.memory_space<vmem>>, %arg7: memref<64x64xf32, #tpu.memory_space<vmem>>, %arg8: memref<1x64xf32, #tpu.memory_space<vmem>>, %arg9: memref<1000x64xf32, #tpu.memory_space<vmem>>, %arg10: memref<1x64xf32, #tpu.memory_space<vmem>>) attributes {dimension_semantics = [#tpu.dimension_semantics<arbitrary>], iteration_bounds = array<i64: 50>, scalar_prefetch = 0 : i64, scratch_operands = 0 : i64, tpu.core_type = #tpu.core_type<tc>, window_params = [{transform_indices = @transform_0, window_bounds = array<i64: 1000, 96>}, {transform_indices = @transform_1, window_bounds = array<i64: 1000, 64>}, {pipeline_mode = #tpu.pipeline_mode<synchronous>, transform_indices = @transform_2, window_bounds = array<i64: 64, 64>}, {pipeline_mode = #tpu.pipeline_mode<synchronous>, transform_indices = @transform_3, window_bounds = array<i64: 1, 64>}, {pipeline_mode = #tpu.pipeline_mode<synchronous>, transform_indices = @transform_4, window_bounds = array<i64: 1, 1>}, {pipeline_mode = #tpu.pipeline_mode<synchronous>, transform_indices = @transform_5, window_bounds = array<i64: 1, 64>}, {pipeline_mode = #tpu.pipeline_mode<synchronous>, transform_indices = @transform_6, window_bounds = array<i64: 64, 64>}, {pipeline_mode = #tpu.pipeline_mode<synchronous>, transform_indices = @transform_7, window_bounds = array<i64: 1, 64>}, {transform_indices = @transform_8, window_bounds = array<i64: 1000, 64>}, {pipeline_mode = #tpu.pipeline_mode<synchronous>, transform_indices = @transform_9, window_bounds = array<i64: 1, 64>}]} {
    %get3A = arith.constant 0 : index
    %get3A_0 = arith.constant 0 : index
    %get3A_1 = vector.load %arg1[%get3A, %get3A_0] : memref<1000x96xf32, #tpu.memory_space<vmem>>, vector<1000x96xf32>
    %slice3A = vector.extract_strided_slice %get3A_1 {offsets = [0, 0], sizes = [1000, 32], strides = [1, 1]} : vector<1000x96xf32> to vector<1000x32xf32>
    %slice3A_2 = vector.extract_strided_slice %get3A_1 {offsets = [0, 48], sizes = [1000, 32], strides = [1, 1]} : vector<1000x96xf32> to vector<1000x32xf32>
    %concatenate3A = tpu.concatenate %slice3A, %slice3A_2 in 1 : vector<1000x32xf32>, vector<1000x32xf32> -> vector<1000x64xf32>
    %slice3A_3 = vector.extract_strided_slice %get3A_1 {offsets = [0, 32], sizes = [1000, 16], strides = [1, 1]} : vector<1000x96xf32> to vector<1000x16xf32>
    %slice3A_4 = vector.extract_strided_slice %get3A_1 {offsets = [0, 80], sizes = [1000, 16], strides = [1, 1]} : vector<1000x96xf32> to vector<1000x16xf32>
    %concatenate3A_5 = tpu.concatenate %slice3A_3, %slice3A_4 in 1 : vector<1000x16xf32>, vector<1000x16xf32> -> vector<1000x32xf32>
    %reshape3A = vector.shape_cast %concatenate3A_5 : vector<1000x32xf32> to vector<1000x8x4xf32>
    %reduce_sum3A = arith.constant dense<0.000000e+00> : vector<1000x8xf32>
    %reduce_sum3A_6 = vector.multi_reduction <add>, %reshape3A, %reduce_sum3A [2] : vector<1000x8x4xf32> to vector<1000x8xf32>
    %reshape3A_7 = vector.shape_cast %reduce_sum3A_6 : vector<1000x8xf32> to vector<1000x8x1xf32>
    %broadcast_in_dim3A = vector.shape_cast %reshape3A_7 : vector<1000x8x1xf32> to vector<1000x8x1xf32>
    %broadcast_in_dim3A_8 = vector.broadcast %broadcast_in_dim3A : vector<1000x8x1xf32> to vector<1000x8x8xf32>
    %reshape3A_9 = vector.shape_cast %broadcast_in_dim3A_8 : vector<1000x8x8xf32> to vector<1000x64xf32>
    %add3A = arith.constant 1.000000e-16 : f32
    %add3A_10 = vector.broadcast %add3A : f32 to vector<1000x64xf32>
    %add3A_11 = arith.addf %reshape3A_9, %add3A_10 : vector<1000x64xf32>
    %div3A = arith.divf %concatenate3A, %add3A_11 : vector<1000x64xf32>
    %max3A = arith.constant 0.000000e+00 : f32
    %max3A_12 = vector.broadcast %max3A : f32 to vector<1000x64xf32>
    %max3A_13 = arith.maximumf %div3A, %max3A_12 : vector<1000x64xf32>
    %get3A_14 = arith.constant 0 : index
    %get3A_15 = arith.constant 0 : index
    %get3A_16 = vector.load %arg5[%get3A_14, %get3A_15] : memref<1x1xf32, #tpu.memory_space<vmem>>, vector<1x1xf32>
    %get3A_17 = vector.extract %get3A_16[0, 0] : f32 from vector<1x1xf32>
    %neg3A = arith.constant 0.000000e+00 : f32
    %neg3A_18 = arith.subf %neg3A, %get3A_17 : f32
    %exp3A = math.exp %neg3A_18 : f32
    %add3A_19 = arith.constant 1.000000e+00 : f32
    %add3A_20 = arith.addf %add3A_19, %exp3A : f32
    %div3A_21 = arith.constant 1.000000e+00 : f32
    %div3A_22 = arith.divf %div3A_21, %add3A_20 : f32
    %get3A_23 = arith.constant 0 : index
    %get3A_24 = arith.constant 0 : index
    %get3A_25 = vector.load %arg2[%get3A_23, %get3A_24] : memref<1000x64xf32, #tpu.memory_space<vmem>>, vector<1000x64xf32>
    %get3A_26 = arith.constant 0 : index
    %get3A_27 = arith.constant 0 : index
    %get3A_28 = vector.load %arg3[%get3A_26, %get3A_27] : memref<64x64xf32, #tpu.memory_space<vmem>>, vector<64x64xf32>
    %dot_general3A = arith.constant dense<0.000000e+00> : vector<1000x64xf32>
    %dot_general3A_29 = tpu.matmul %get3A_25, %get3A_28, %dot_general3A {dimension_numbers = #tpu.dot_dimension_numbers<[1], [0], [0], [1], [0, 0, 1, 1], [], []>, transpose_lhs_hint = false} : vector<1000x64xf32>, vector<64x64xf32>, vector<1000x64xf32> -> vector<1000x64xf32>
    %get3A_30 = arith.constant 0 : index
    %get3A_31 = arith.constant 0 : index
    %get3A_32 = vector.load %arg4[%get3A_30, %get3A_31] : memref<1x64xf32, #tpu.memory_space<vmem>>, vector<1x64xf32>
    %add3A_33 = vector.broadcast %get3A_32 : vector<1x64xf32> to vector<1000x64xf32>
    %add3A_34 = arith.addf %dot_general3A_29, %add3A_33 : vector<1000x64xf32>
    %mul3A = vector.broadcast %div3A_22 : f32 to vector<1000x64xf32>
    %mul3A_35 = arith.mulf %max3A_13, %mul3A : vector<1000x64xf32>
    %sub3A = arith.constant 1.000000e+00 : f32
    %sub3A_36 = arith.subf %sub3A, %div3A_22 : f32
    %mul3A_37 = vector.broadcast %sub3A_36 : f32 to vector<1000x64xf32>
    %mul3A_38 = arith.mulf %add3A_34, %mul3A_37 : vector<1000x64xf32>
    %add3A_39 = arith.addf %mul3A_35, %mul3A_38 : vector<1000x64xf32>
    %swap3A = arith.constant 0 : index
    %swap3A_40 = arith.constant 0 : index
    %swap3A_41 = vector.load %arg9[%swap3A, %swap3A_40] : memref<1000x64xf32, #tpu.memory_space<vmem>>, vector<1000x64xf32>
    tpu.vector_store %arg9[%swap3A, %swap3A_40], %add3A_39 {strides = array<i32>} : memref<1000x64xf32, #tpu.memory_space<vmem>>, vector<1000x64xf32>,
    %get3A_42 = arith.constant 0 : index
    %get3A_43 = arith.constant 0 : index
    %get3A_44 = vector.load %arg6[%get3A_42, %get3A_43] : memref<1x64xf32, #tpu.memory_space<vmem>>, vector<1x64xf32>
    %get3A_45 = arith.constant 0 : index
    %get3A_46 = arith.constant 0 : index
    %get3A_47 = vector.load %arg7[%get3A_45, %get3A_46] : memref<64x64xf32, #tpu.memory_space<vmem>>, vector<64x64xf32>
    %dot_general3A_48 = arith.constant dense<0.000000e+00> : vector<1x64xf32>
    %dot_general3A_49 = tpu.matmul %get3A_44, %get3A_47, %dot_general3A_48 {dimension_numbers = #tpu.dot_dimension_numbers<[1], [0], [0], [1], [0, 0, 1, 1], [], []>, transpose_lhs_hint = false} : vector<1x64xf32>, vector<64x64xf32>, vector<1x64xf32> -> vector<1x64xf32>
    %get3A_50 = arith.constant 0 : index
    %get3A_51 = arith.constant 0 : index
    %get3A_52 = vector.load %arg8[%get3A_50, %get3A_51] : memref<1x64xf32, #tpu.memory_space<vmem>>, vector<1x64xf32>
    %add3A_53 = arith.addf %dot_general3A_49, %get3A_52 : vector<1x64xf32>
    %swap3A_54 = arith.constant 0 : index
    %swap3A_55 = arith.constant 0 : index
    %swap3A_56 = vector.load %arg10[%swap3A_54, %swap3A_55] : memref<1x64xf32, #tpu.memory_space<vmem>>, vector<1x64xf32>
    tpu.vector_store %arg10[%swap3A_54, %swap3A_55], %add3A_53 {strides = array<i32>} : memref<1x64xf32, #tpu.memory_space<vmem>>, vector<1x64xf32>,
    return
  }
  func.func @transform_0(%arg0: i32) -> (i32, i32) {
    %c0_i32 = arith.constant 0 : i32
    %c0_i32_0 = arith.constant 0 : i32
    return %arg0, %c0_i32 : i32, i32
  }
  func.func @transform_1(%arg0: i32) -> (i32, i32) {
    %c0_i32 = arith.constant 0 : i32
    %c0_i32_0 = arith.constant 0 : i32
    return %arg0, %c0_i32 : i32, i32
  }
  func.func @transform_2(%arg0: i32) -> (i32, i32) {
    %c0_i32 = arith.constant 0 : i32
    %c0_i32_0 = arith.constant 0 : i32
    %c0_i32_1 = arith.constant 0 : i32
    return %c0_i32, %c0_i32_0 : i32, i32
  }
  func.func @transform_3(%arg0: i32) -> (i32, i32) {
    %c0_i32 = arith.constant 0 : i32
    %c0_i32_0 = arith.constant 0 : i32
    %c0_i32_1 = arith.constant 0 : i32
    return %c0_i32, %c0_i32_0 : i32, i32
  }
  func.func @transform_4(%arg0: i32) -> (i32, i32) {
    %c0_i32 = arith.constant 0 : i32
    %c0_i32_0 = arith.constant 0 : i32
    %c0_i32_1 = arith.constant 0 : i32
    return %c0_i32, %c0_i32_0 : i32, i32
  }
  func.func @transform_5(%arg0: i32) -> (i32, i32) {
    %c0_i32 = arith.constant 0 : i32
    %c0_i32_0 = arith.constant 0 : i32
    %c0_i32_1 = arith.constant 0 : i32
    return %c0_i32, %c0_i32_0 : i32, i32
  }
  func.func @transform_6(%arg0: i32) -> (i32, i32) {
    %c0_i32 = arith.constant 0 : i32
    %c0_i32_0 = arith.constant 0 : i32
    %c0_i32_1 = arith.constant 0 : i32
    return %c0_i32, %c0_i32_0 : i32, i32
  }
  func.func @transform_7(%arg0: i32) -> (i32, i32) {
    %c0_i32 = arith.constant 0 : i32
    %c0_i32_0 = arith.constant 0 : i32
    %c0_i32_1 = arith.constant 0 : i32
    return %c0_i32, %c0_i32_0 : i32, i32
  }
  func.func @transform_8(%arg0: i32) -> (i32, i32) {
    %c0_i32 = arith.constant 0 : i32
    %c0_i32_0 = arith.constant 0 : i32
    return %arg0, %c0_i32 : i32, i32
  }
  func.func @transform_9(%arg0: i32) -> (i32, i32) {
    %c0_i32 = arith.constant 0 : i32
    %c0_i32_0 = arith.constant 0 : i32
    %c0_i32_1 = arith.constant 0 : i32
    return %c0_i32, %c0_i32_0 : i32, i32
  }
}

</mosaic_0001>

<sc_bundles>
// kernel: kernel.5.cloned.1.call-start
scs
__scs_entry_jumppad:
0x0: {  	(pc) =	sbr.rel $0x88, $3  }
0x1: {  	(tag) =	ssettag $0x0;
	lr =	simm.s32 $0x1  }
0x2: {  	[smem:$0x3F96] =	sst lr;
	_ =	strace $0xD0000000  }
0x3: {  	_ = 	snop  }
0x4: {  	_ = 	snop  }
0x5: {  	_ = 	snop  }
0x6: {  	_ = 	snop  }
0x7: {  	_ = 	snop  }
__scs_overlays_trampoline_lowered:
0x8: {  	[smem:$0x3FA5] =	sst s0  }
0x9: {  	[smem:$0x3FA6] =	sst s1  }
0xa: {  	[smem:$0x3FA7] =	sst s2  }
0xb: {  	[smem:$0x3FA8] =	sst s3  }
0xc: {  	[smem:$0x3FA9] =	sst s4  }
0xd: {  	[smem:$0x3FAA] =	sst s5  }
0xe: {  	[smem:$0x3FAB] =	sst s6  }
0xf: {  	[smem:$0x3FAC] =	sst s7  }
0x10: {  	[smem:$0x3FAD] =	sst s8  }
0x11: {  	[smem:$0x3FAE] =	sst s9;
	s0 =	simm.s32 @!p0 $0x0  }
0x12: {  	s1 =	sld [smem:$0x3F94];
	s0 =	simm.s32 @p0 $0x1  }
0x13: {  	[smem:$0x3FAF] =	sst s0;
	s0 =	simm.s32 @!p1 $0x0  }
0x14: {  	s2 =	sld [smem:$0x3F93];
	s0 =	simm.s32 @p1 $0x1  }
0x15: {  	[smem:$0x3FB0] =	sst s0;
	s0 =	simm.s32 @!p2 $0x0  }
0x16: {  	s3 =	sld [smem:$0x3FDB];
	s0 =	simm.s32 @p2 $0x1  }
0x17: {  	s4 =	simm.s32 $0x1BF5;
	[smem:$0x3FB2] =	sst s0  }
0x18: {  	s0 =	sld [smem:$0x3F95];
	_ =	swait.ge [sflag:s4], $0x0  }
0x19: {  	s7 =	sld [smem:$0x3F96]  }
0x1a: {  	s8 =	sadd.s32 $0xFFFFE003, lr  }
0x1b: {  	s9 =	sadd.s32 $0xFFFFFEF7, lr;
	s5 =	simm.s32 $0xFFFFFFFF;
	p2 =	slt.u32 s8, $0xFFFFF086  }
0x1c: {  	p1 =	slt.u32 s9, $0xF7A;
	s5 =	simm.s32 @!p2 $0x0  }
0x1d: {  	s5 =	simm.s32 @p1 $0x1;
	p0 =	seq.s32 s7, s2  }
0x1e: {  	s7 =	smul.u32 @!p0 $0xF7A, s2;
	p2 =	seq.s32 @!p0 s5, $0x0  }
0x1f: {  	s9 =	smul.u32 $0xF7A, s1;
	s8 =	simm.s32 @!p0 $0x1BF5;
	p2 =	por !p2, p0  }
0x20: {  	[sflag:s8] =	ssyncset.s32 @!p0 $0xFFFFF086;
	s6 =	sadd.s32 @!p0 s3, s7;
	s7 =	simm.s32 @!p0 $0x108  }
0x21: {  	s3 =	sadd.s32 s3, s9;
	s6 =	sadd.s32 @!p0 $0x88, s6;
	s7 =	simm.s32 @p2 $0x1082  }
0x22: {  	[simem:s7], [sflag:s8] =	dma.local @!p0 [hbm:s6], $0xF7A  }
0x23: {  	s9 =	sor.u32 $0xD0000000, s2;
	s6 =	simm.s32 $0x108;
	_ =	swait.ge @!p0 [sflag:s8], $0x0  }
0x24: {  	s3 =	sadd.s32 $0x88, s3;
	s6 =	simm.s32 @!p1 $0x1082;
	[sflag:s4] =	ssyncset.s32 $0xFFFFF086  }
0x25: {  	[simem:s6], [sflag:s4] =	dma.local [hbm:s3], $0xF7A  }
0x26: {  	[smem:$0x3F96] =	sst s1;
	(tag) =	ssettag s2;
	_ =	strace s9  }
0x27: {  	s1 =	sld [smem:$0x3FA6]  }
0x28: {  	s2 =	sld [smem:$0x3FA7]  }
0x29: {  	s4 =	sld [smem:$0x3FA9]  }
0x2a: {  	p0 =	seq.s32 s5, $0x0;
	s5 =	sld [smem:$0x3FAA]  }
0x2b: {  	s6 =	sld [smem:$0x3FAB]  }
0x2c: {  	s7 =	sld [smem:$0x3FAC]  }
0x2d: {  	s3 =	simm.s32 $0x108;
	s8 =	sld [smem:$0x3FAD]  }
0x2e: {  	s3 =	simm.s32 @!p0 $0x1082;
	s9 =	sld [smem:$0x3FAE]  }
0x2f: {  	lr =	sadd.s32 s0, s3;
	s0 =	sld [smem:$0x3FA5]  }
0x30: {  	s3 =	sld [smem:$0x3FA8]  }
0x31: {  	[smem:$0x3FB1] =	sst s10  }
0x32: {  	s10 =	sld [smem:$0x3FAF];
	_ =	sdelay $0x3  }
0x33: {  	p0 =	seq.s32 s10, $0x1;
	s10 =	sld [smem:$0x3FB1];
	_ =	sdelay $0x3  }
0x34: {  	[smem:$0x3FB1] =	sst s10  }
0x35: {  	s10 =	sld [smem:$0x3FB0];
	_ =	sdelay $0x3  }
0x36: {  	p1 =	seq.s32 s10, $0x1;
	s10 =	sld [smem:$0x3FB1];
	_ =	sdelay $0x3  }
0x37: {  	[smem:$0x3FB1] =	sst s10  }
0x38: {  	s10 =	sld [smem:$0x3FB2]  }
0x39: {  	_ = 	snop;
	(pc) =	sbr.ind lr, $3  }
0x3a: {  	_ = 	snop  }
0x3b: {  	_ = 	snop  }
0x3c: {  	p2 =	seq.s32 s10, $0x1;
	s10 =	sld [smem:$0x3FB1]  }
0x3d: {  	_ =	shalt  }
0x3e: {  	_ =	shalt  }
0x3f: {  	_ =	shalt  }
0x40: {  	_ =	shalt  }
0x41: {  	_ =	shalt  }
0x42: {  	_ =	shalt  }
0x43: {  	_ =	shalt  }
0x44: {  	_ =	shalt  }
0x45: {  	_ =	shalt  }
0x46: {  	_ =	shalt  }
0x47: {  	_ =	shalt  }
0x48: {  	_ =	shalt  }
0x49: {  	_ =	shalt  }
0x4a: {  	_ =	shalt  }
0x4b: {  	_ =	shalt  }
0x4c: {  	_ =	shalt  }
0x4d: {  	_ =	shalt  }
0x4e: {  	_ =	shalt  }
0x4f: {  	_ =	shalt  }
0x50: {  	_ =	shalt  }
0x51: {  	_ =	shalt  }
0x52: {  	_ =	shalt  }
0x53: {  	_ =	shalt  }
0x54: {  	_ =	shalt  }
0x55: {  	_ =	shalt  }
0x56: {  	_ =	shalt  }
0x57: {  	_ =	shalt  }
0x58: {  	_ =	shalt  }
0x59: {  	_ =	shalt  }
0x5a: {  	_ =	shalt  }
0x5b: {  	_ =	shalt  }
0x5c: {  	_ =	shalt  }
0x5d: {  	_ =	shalt  }
0x5e: {  	_ =	shalt  }
0x5f: {  	_ =	shalt  }
0x60: {  	_ =	shalt  }
0x61: {  	_ =	shalt  }
0x62: {  	_ =	shalt  }
0x63: {  	_ =	shalt  }
0x64: {  	_ =	shalt  }
0x65: {  	_ =	shalt  }
0x66: {  	_ =	shalt  }
0x67: {  	_ =	shalt  }
0x68: {  	_ =	shalt  }
0x69: {  	_ =	shalt  }
0x6a: {  	_ =	shalt  }
0x6b: {  	_ =	shalt  }
0x6c: {  	_ =	shalt  }
0x6d: {  	_ =	shalt  }
0x6e: {  	_ =	shalt  }
0x6f: {  	_ =	shalt  }
0x70: {  	_ =	shalt  }
0x71: {  	_ =	shalt  }
0x72: {  	_ =	shalt  }
0x73: {  	_ =	shalt  }
0x74: {  	_ =	shalt  }
0x75: {  	_ =	shalt  }
0x76: {  	_ =	shalt  }
0x77: {  	_ =	shalt  }
0x78: {  	_ =	shalt  }
0x79: {  	_ =	shalt  }
0x7a: {  	_ =	shalt  }
0x7b: {  	_ =	shalt  }
0x7c: {  	_ =	shalt  }
0x7d: {  	_ =	shalt  }
0x7e: {  	_ =	shalt  }
0x7f: {  	_ =	shalt  }
0x80: {  	_ =	shalt  }
0x81: {  	_ =	shalt  }
0x82: {  	_ =	shalt  }
0x83: {  	_ =	shalt  }
0x84: {  	_ =	shalt  }
0x85: {  	_ =	shalt  }
0x86: {  	_ =	shalt  }
0x87: {  	_ =	shalt  }
.Lfunc_end0:
.L_simem_size_0:
called_computation_lowered:
.L_overlay_start_0:
0x88: {  	s2 =	sld [smem:$0x3FD9]  }
0x89: {  	s3 =	sld [smem:$0x3FFE];
	_ =	sdelay $0x1  }
0x8a: {  	s1 =	srdreg.scid  }
0x8b: {  	s0 =	sand.u32 $0x1, s1  }
0x8c: {  	s14 =	sshll.u32 s0, $0xA;
	s2 =	sadd.s32 s3, s2  }
0x8d: {  	s2 =	sadd.s32 s2, s14  }
0x8e: {  	[smem:$0x3FBD] =	sst s2  }
0x8f: {  	_ = 	snop  }
0x90: {  	s2 =	sld [smem:$0x3FD0];
	_ =	sdelay $0x2  }
0x91: {  	s15 =	simm.s32 $0xA;
	s4 =	simm.s32 $0x10  }
0x92: {  	[smem:s4], [sflag:s15] =	dma.local [hbm:s2], $0x1  }
0x93: {  	_ =	swait.eq [sflag:s15], $0x1  }
0x94: {  	[sflag:s15] =	ssyncset.done $0x0  }
0x95: {  	[sflag:s15] =	ssyncadd.s32 $0xFFFFFFFF  }
0x96: {  	s16 =	sld [smem:$0x10];
	(tm) =	ssettm $0x1  }
0x97: {  	s17 =	sld [smem:$0x3FFB];
	_ =	sdelay $0x3  }
0x98: {  	_ =	strace s17  }
0x99: {  	s3 =	sld [smem:$0x3FFC];
	_ =	sdelay $0x3  }
0x9a: {  	_ =	strace s3  }
0x9b: {  	s3 =	sld [smem:$0x3FFD];
	_ =	sdelay $0x3  }
0x9c: {  	_ =	strace s3  }
0x9d: {  	_ =	strace $0x8FFFFFFF  }
0x9e: {  	s18 =	sld [smem:$0x3FDB];
	_ =	sdelay $0x1  }
0x9f: {  	s19 =	simm.s32 $_scs_section_size  }
0xa0: {  	s5 =	simm.s32 $_size__tile_overlayer_lowered;
	s6 =	simm.s32 $_tile_overlayer_lowered  }
0xa1: {  	s22 =	simm.s32 $0x1BFF;
	s21 =	sshll.u32 s6, $0x1;
	s3 =	sadd.s32 s19, s18  }
0xa2: {  	s7 =	simm.s32 $0x0;
	s20 =	sshll.u32 s5, $0x1;
	s5 =	sadd.s32 s21, s3  }
0xa3: {  	[timem:s7], [sflag:s22] =	dma.local [hbm:s5], s20  }
0xa4: {  	_ =	swait.ge [sflag:s22], s20  }
0xa5: {  	s4 =	ssub.s32 $0x0, s20;
	[sflag:s22] =	ssyncset.done $0x0  }
0xa6: {  	[sflag:s22] =	ssyncadd.s32 s4;
	_ =	sdelay $0x1  }
0xa7: {  	s23 =	simm.s32 $0x1B8B  }
0xa8: {  	_ =	swait.ge [sflag:s23], $0x1  }
0xa9: {  	[sflag:s23] =	ssyncset.done $0x0  }
0xaa: {  	s25 =	simm.s32 $0x1B8E;
	s24 =	sld [smem:$0x3FFE];
	[sflag:s23] =	ssyncadd.s32 $0xFFFFFFFF  }
0xab: {  	s26 =	simm.s32 $execute0_lowered;
	[smem:$0x3FD2] =	sst s25  }
0xac: {  	s5 =	sshll.u32 s26, $0x1;
	_ =	strace $0x80000046;
	[dreg:$0x1] =	wrdreg $0xFFFFFFFF  }
0xad: {  	s28 =	simm.s32 $_size_execute0_lowered;
	s3 =	sadd.s32 s3, s5;
	[dreg:$0x0] =	wrdreg $0x0  }
0xae: {  	s5 =	sshll.u32 s28, $0x1;
	[dreg:$0x2] =	wrdreg s3  }
0xaf: {  	[dreg:$0x3] =	wrdreg s5  }
0xb0: {  	[dreg:$0x4] =	wrdreg $0xC0  }
0xb1: {  	_ =	task [dreg:s7], $0x5FFFF  }
0xb2: {  	[dreg:$0x1] =	wrdreg $0xFFFFFFFF  }
0xb3: {  	[dreg:$0x0] =	wrdreg $0x60  }
0xb4: {  	[dreg:$0x2] =	wrdreg s24  }
0xb5: {  	[dreg:$0x3] =	wrdreg s16  }
0xb6: {  	[dreg:$0x4] =	wrdreg $0x9  }
0xb7: {  	_ =	task.clear_ibuf [dreg:s7], $0x5FFFF;
	_ =	strace $0x90000046  }
0xb8: {  	s29 =	simm.s32 $0x9;
	_ =	strace $0x80000048  }
0xb9: {  	_ =	swait.ge [sflag:s29], $0x1  }
0xba: {  	[sflag:s29] =	ssyncadd.s32 $0xFFFFFFFF  }
0xbb: {  	_ =	strace $0x90000048  }
0xbc: {  	_ =	sfence  }
0xbd: {  	s30 =	sld [smem:$0x0];
	_ =	sdelay $0x2  }
0xbe: {  	s31 =	sshll.u32 s1, $0xD;
	s1 =	sshrl.u32 s1, $0x2  }
0xbf: {  	s3 =	sand.u32 $0x4000, s31;
	s1 =	sadd.s32 s1, s30  }
0xc0: {  	s0 =	sor.u32 s3, s0;
	s1 =	sshll.u32 s1, $0x11  }
0xc1: {  	s0 =	sor.u32 s1, s0  }
0xc2: {  	s0 =	sadd.s32 $0x8F2B, s0  }
0xc3: {  	[sflag:s0] =	ssyncadd.remote.s32 $0x1  }
0xc4: {  	_ =	sfence.sel $0xFFFF  }
0xc5: {  	[dreg:$0x0] =	wrdreg $0xFFFFFFFF;
	(pc) =	sbr.abs _section_cstart, $3  }
0xc6: {  	[dreg:$0x1] =	wrdreg $0xFFFFFFFF  }
0xc7: {  	_ =	task.clear_ibuf [dreg:s7], $0x2FFFF;
	_ =	strace $0x9FFFFFFF  }
0xc8: {  	(tm) =	ssettm $0x7FFFFFFF  }
0xc9: {  	_ =	shalt  }
tec
execute0_lowered:
.L_overlay_start_1:
0x0: {  	(tag) =	ssettag $0x1  }
0x1: {  	s0 =	srdreg.scid  }
0x2: {  	s21 =	stileid.u32;
	s2 =	simm.s32 $0x1;
	s7 =	rddreg [dreg:$0x0]  }
0x3: {  	s11 =	rddreg [dreg:$0x1];
	s3 =	simm.s32 $0x1;
	s28 =	simm.s32 $0x18700  }
0x4: {  	s29 =	simm.s32 $0x196A0;
	s30 =	simm.s32 $0x1A640;
	s31 =	simm.s32 $0x1B5E0  }
0x5: {  	s0 =	sand.u32 $0x1, s0;
	s9 =	sand.u32 $0x3, s21;
	s5 =	sadd.s32 $0xDE000, s7  }
0x6: {  	s23 =	sshrl.u32 s21, $0x3;
	s18 =	sor.u32 $0x10, s21;
	s26 =	sshrl.u32 s21, $0x2  }
0x7: {  	s1 =	sshll.u32 s0, $0x4;
	p1 =	sne.s32 s9, $0x0;
	s8 =	ssub.s32 $0x2, s0  }
0x8: {  	s14 =	sshll.u32 s0, $0x5;
	s16 =	sshll.u32 s0, $0x2;
	s0 =	smul.u32 $0x30, s0  }
0x9: {  	s1 =	sor.u32 s21, s1;
	s10 =	sshrl.u32 s8, $0x1;
	s22 =	sor.u32 s21, s14  }
0xa: {  	s14 =	sor.u32 s18, s14;
	p0 =	seq.s32 s1, $0x0;
	s1 =	sshrl.u32 s1, $0x2  }
0xb: {  	s15 =	ssub.s32 s8, s10;
	s10 =	sor.u32 s16, s23;
	s20 =	smul.u32 $0x1870, s14  }
0xc: {  	s24 =	sor.u32 s21, s0;
	s23 =	smul.u32 $0x30D40, s9;
	p0 =	por !p1, !p0  }
0xd: {  	s21 =	sor.u32 s16, s26;
	s10 =	smul.u32 $0xC3500, s10;
	p0 =	por !p0, !p0  }
0xe: {  	s0 =	sadd.s32 s18, s0;
	s14 =	smul.u32 $0xC3500, s21;
	s2 =	simm.s32 @!p0 $0x0  }
0xf: {  	s6 =	sadd.s32 $0x10F000, s7;
	s0 =	smul.u32 $0x1870, s0;
	s1 =	ssub.s32 s1, s2  }
0x10: {  	s13 =	sadd.s32 $0x1D2600, s7;
	s19 =	sshrl.u32 s18, $0x3;
	s4 =	smul.u32 $0xC380, s1  }
0x11: {  	s25 =	sor.u32 s16, s19;
	s2 =	simm.s32 $0x0;
	s8 =	smul.u32 $0xC3500, s1  }
0x12: {  	s0 =	sadd.s32 s13, s0;
	[smem:$0x7FF] =	sst s2;
	s1 =	smul.u32 $0x1870, s22  }
0x13: {  	s22 =	sshrl.u32 s10, $0x3;
	_ =	strace $0x80000047;
	[dreg:$0x9] =	wrdreg s0  }
0x14: {  	s4 =	sshrl.u32 s4, $0x3;
	s1 =	sadd.s32 s11, s1;
	s11 =	sadd.s32 s11, s20  }
0x15: {  	s12 =	sadd.s32 s4, s7;
	s4 =	sadd.s32 $0xF6800, s7;
	[dreg:$0x5] =	wrdreg s1  }
0x16: {  	s7 =	smul.u32 $0x32, s9;
	s1 =	sadd.s32 s6, s22;
	[dreg:$0x7] =	wrdreg s11  }
0x17: {  	s9 =	smul.u32 $0x61A8, s9;
	s17 =	sadd.s32 $0xC5800, s12;
	[dreg:$0x6] =	wrdreg s1  }
0x18: {  	s12 =	sadd.s32 $0xD1C00, s12;
	[dreg:$0x3] =	wrdreg s17;
	s17 =	smul.u32 $0x1870, s24  }
0x19: {  	s1 =	sadd.s32 s23, s14;
	[dreg:$0x4] =	wrdreg s12;
	s12 =	smul.u32 $0xC3500, s25  }
0x1a: {  	s25 =	sshrl.u32 s1, $0x3;
	s26 =	sadd.s32 s5, s9;
	s22 =	sadd.s32 $0x32, s7  }
0x1b: {  	s1 =	simm.s32 $0x1C580;
	s9 =	simm.s32 $0x2;
	[dreg:$0xa] =	wrdreg s26  }
0x1c: {  	s0 =	sadd.s32 s6, s25;
	s25 =	simm.s32 $0x3;
	s26 =	simm.s32 $0xC380  }
0x1d: {  	s16 =	sadd.s32 s13, s17;
	s24 =	sshrl.u32 s12, $0x3;
	[dreg:$0xb] =	wrdreg s0  }
0x1e: {  	s0 =	simm.s32 $0x1D520;
	s11 =	sadd.s32 s6, s24;
	s23 =	sadd.s32 $0x30E00, s16  }
0x1f: {  	v0 =	vimm.f32 $0.0e+00;
	s24 =	smax.u32 s15, $0x1;
	[dreg:$0x8] =	wrdreg s11;
	s11 =	simm.s32 $0x0  }
.LBB2_1:
0x20: {  	s13 =	rddreg [dreg:$0x3]  }
0x21: {  	[tilespmem:s2], [sflag:$0x3] =	stream.linear.gather [hbm4b:s13+s2], $0xC380, $0x38;
	[tilespmem:$0x1E4C0] =	vst v63  }
0x22: {  	_ =	swait.ge [sflag:s25], $0xC380  }
0x23: {  	[sflag:s25] =	ssyncset.done $0x0  }
0x24: {  	s21 =	rddreg [dreg:$0x4];
	[sflag:s25] =	ssyncadd.s32 $0xFFFF3C80  }
0x25: {  	[tilespmem:s26], [sflag:$0x3] =	stream.linear.gather [hbm4b:s21+s2], $0xC380, $0x38;
	[tilespmem:$0x1E4C0] =	vst v63  }
0x26: {  	_ =	swait.ge [sflag:s25], $0xC380  }
0x27: {  	[sflag:s25] =	ssyncset.done $0x0  }
0x28: {  	s13 =	simm.s32 $0x0;
	[sflag:s25] =	ssyncadd.s32 $0xFFFF3C80  }
.LBB2_2:
0x29: {  	s15 =	sadd.s32 s7, s13  }
0x2a: {  	s15 =	smul.u32 $0xFA0, s15;
	_ =	sdelay $0x1  }
0x2b: {  	s17 =	sshrl.u32 s15, $0x3  }
0x2c: {  	s19 =	simm.s32 $0x0;
	s18 =	sadd.s32 s4, s17  }
0x2d: {  	[tilespmem:s28], [sflag:$0x3] =	stream.linear.gather [hbm4b:s18+s19], $0xFA0, $0x38;
	[tilespmem:$0x1E4C0] =	vst v63  }
0x2e: {  	_ =	swait.ge [sflag:s25], $0xFA0  }
0x2f: {  	[sflag:s25] =	ssyncset.done $0x0  }
0x30: {  	s17 =	sadd.s32 s5, s17;
	[sflag:s25] =	ssyncadd.s32 $0xFFFFF060  }
0x31: {  	[tilespmem:s29], [sflag:$0x3] =	stream.linear.gather [hbm4b:s17+s19], $0xFA0, $0x38;
	[tilespmem:$0x1E4C0] =	vst v63  }
0x32: {  	_ =	swait.ge [sflag:s25], $0xFA0  }
0x33: {  	[sflag:s25] =	ssyncset.done $0x0  }
0x34: {  	s17 =	simm.s32 $0x0;
	[sflag:s25] =	ssyncadd.s32 $0xFFFFF060  }
0x35: {  	v1 =	vld [tilespmem:s17+$0x18700]  }
0x36: {  	v2 =	vld [tilespmem:s17+$0x196A0];
	_ =	sdelay $0x6  }
0x37: {  	v1 =	vld.idx.msk [tilespmem:v1+s2+$0x0], $0xffff  }
0x38: {  	v2 =	vld.idx.msk [tilespmem:v2+s26+$0x0], $0xffff;
	_ =	sdelay $0x4  }
0x39: {  	v1 =	vadd.f32 v2, v1;
	_ =	sdelay $0x1  }
0x3a: {  	v2 =	vmul.f32 $2.000000030e-01, v1;
	_ =	sdelay $0x1  }
0x3b: {  	v1 =	vmax.f32 v1, v2  }
0x3c: {  	v1 =	vmul.f32 $1.442695020e+00, v1;
	_ =	sdelay $0x1  }
0x3d: {  	(erf) = vpow2.f32 v1;
	_ =	sdelay $0x2  }
0x3e: {  	v1 =	vld [tilespmem:s17+$0x18710]  }
0x3f: {  	v2 =	vld [tilespmem:s17+$0x196B0];
	_ =	sdelay $0x4  }
0x40: {  	v3 =	vpop (erf)  }
0x41: {  	[tilespmem:s17+$0x1A640] =	vst v3  }
0x42: {  	v1 =	vld.idx.msk [tilespmem:v1+s2+$0x0], $0xffff  }
0x43: {  	v2 =	vld.idx.msk [tilespmem:v2+s26+$0x0], $0xffff;
	_ =	sdelay $0x4  }
0x44: {  	v1 =	vadd.f32 v2, v1;
	_ =	sdelay $0x1  }
0x45: {  	v2 =	vmul.f32 $2.000000030e-01, v1;
	_ =	sdelay $0x1  }
0x46: {  	v1 =	vmax.f32 v1, v2  }
0x47: {  	v1 =	vmul.f32 $1.442695020e+00, v1;
	_ =	sdelay $0x1  }
0x48: {  	(erf) = vpow2.f32 v1;
	_ =	sdelay $0x2  }
0x49: {  	v1 =	vld [tilespmem:s17+$0x18720]  }
0x4a: {  	v2 =	vld [tilespmem:s17+$0x196C0];
	_ =	sdelay $0x4  }
0x4b: {  	v3 =	vpop (erf)  }
0x4c: {  	[tilespmem:s17+$0x1A650] =	vst v3  }
0x4d: {  	v1 =	vld.idx.msk [tilespmem:v1+s2+$0x0], $0xffff  }
0x4e: {  	v2 =	vld.idx.msk [tilespmem:v2+s26+$0x0], $0xffff;
	_ =	sdelay $0x4  }
0x4f: {  	v1 =	vadd.f32 v2, v1;
	_ =	sdelay $0x1  }
0x50: {  	v2 =	vmul.f32 $2.000000030e-01, v1;
	_ =	sdelay $0x1  }
0x51: {  	v1 =	vmax.f32 v1, v2  }
0x52: {  	v1 =	vmul.f32 $1.442695020e+00, v1;
	_ =	sdelay $0x1  }
0x53: {  	(erf) = vpow2.f32 v1;
	_ =	sdelay $0x2  }
0x54: {  	v1 =	vld [tilespmem:s17+$0x18730]  }
0x55: {  	v2 =	vld [tilespmem:s17+$0x196D0];
	_ =	sdelay $0x4  }
0x56: {  	v3 =	vpop (erf)  }
0x57: {  	[tilespmem:s17+$0x1A660] =	vst v3  }
0x58: {  	v1 =	vld.idx.msk [tilespmem:v1+s2+$0x0], $0xffff  }
0x59: {  	v2 =	vld.idx.msk [tilespmem:v2+s26+$0x0], $0xffff;
	_ =	sdelay $0x4  }
0x5a: {  	v1 =	vadd.f32 v2, v1;
	_ =	sdelay $0x1  }
0x5b: {  	v2 =	vmul.f32 $2.000000030e-01, v1;
	_ =	sdelay $0x1  }
0x5c: {  	v1 =	vmax.f32 v1, v2  }
0x5d: {  	v1 =	vmul.f32 $1.442695020e+00, v1;
	_ =	sdelay $0x1  }
0x5e: {  	(erf) = vpow2.f32 v1;
	_ =	sdelay $0x2  }
0x5f: {  	v1 =	vld [tilespmem:s17+$0x18740]  }
0x60: {  	v2 =	vld [tilespmem:s17+$0x196E0];
	_ =	sdelay $0x4  }
0x61: {  	v3 =	vpop (erf)  }
0x62: {  	[tilespmem:s17+$0x1A670] =	vst v3  }
0x63: {  	v1 =	vld.idx.msk [tilespmem:v1+s2+$0x0], $0xffff  }
0x64: {  	v2 =	vld.idx.msk [tilespmem:v2+s26+$0x0], $0xffff;
	_ =	sdelay $0x4  }
0x65: {  	v1 =	vadd.f32 v2, v1;
	_ =	sdelay $0x1  }
0x66: {  	v2 =	vmul.f32 $2.000000030e-01, v1;
	_ =	sdelay $0x1  }
0x67: {  	v1 =	vmax.f32 v1, v2  }
0x68: {  	v2 =	vmul.f32 $1.442695020e+00, v1;
	_ =	sdelay $0x1  }
0x69: {  	(erf) = vpow2.f32 v2;
	_ =	sdelay $0x1  }
0x6a: {  	s20 =	simm.s32 $0x50  }
0x6b: {  	v1 =	vld [tilespmem:s20+$0x18700]  }
0x6c: {  	s18 =	simm.s32 $0x280;
	v2 =	vld [tilespmem:s20+$0x196A0]  }
.LBB2_3:
0x6d: {  	p0 =	sne.s32 s18, $0x3D40;
	s19 =	smov.u32 s18;
	s18 =	sadd.s32 $0x140, s18  }
0x6e: {  	_ =	sdelay $0x2  }
0x6f: {  	v3 =	vpop (erf)  }
0x70: {  	[tilespmem:s17+$0x1A680] =	vst v3;
	s17 =	smov.u32 s20  }
0x71: {  	v1 =	vld.idx.msk [tilespmem:v1+s2+$0x0], $0xffff  }
0x72: {  	v2 =	vld.idx.msk [tilespmem:v2+s26+$0x0], $0xffff;
	_ =	sdelay $0x5  }
0x73: {  	v1 =	vadd.f32 v2, v1;
	_ =	sdelay $0x1  }
0x74: {  	v2 =	vmul.f32 $2.000000030e-01, v1;
	_ =	sdelay $0x1  }
0x75: {  	v1 =	vmax.f32 v1, v2  }
0x76: {  	v1 =	vmul.f32 $1.442695020e+00, v1;
	_ =	sdelay $0x1  }
0x77: {  	(erf) = vpow2.f32 v1;
	_ =	sdelay $0x1  }
0x78: {  	v1 =	vld [tilespmem:s17+$0x196B0]  }
0x79: {  	v2 =	vld [tilespmem:s17+$0x18710];
	_ =	sdelay $0x5  }
0x7a: {  	v3 =	vpop (erf)  }
0x7b: {  	[tilespmem:s17+$0x1A640] =	vst v3  }
0x7c: {  	v2 =	vld.idx.msk [tilespmem:v2+s2+$0x0], $0xffff  }
0x7d: {  	v1 =	vld.idx.msk [tilespmem:v1+s26+$0x0], $0xffff;
	_ =	sdelay $0x5  }
0x7e: {  	v1 =	vadd.f32 v1, v2;
	_ =	sdelay $0x1  }
0x7f: {  	v2 =	vmul.f32 $2.000000030e-01, v1;
	_ =	sdelay $0x1  }
0x80: {  	v1 =	vmax.f32 v1, v2  }
0x81: {  	v1 =	vmul.f32 $1.442695020e+00, v1;
	_ =	sdelay $0x1  }
0x82: {  	(erf) = vpow2.f32 v1;
	_ =	sdelay $0x1  }
0x83: {  	v1 =	vld [tilespmem:s17+$0x196C0]  }
0x84: {  	v2 =	vld [tilespmem:s17+$0x18720];
	_ =	sdelay $0x5  }
0x85: {  	v3 =	vpop (erf)  }
0x86: {  	[tilespmem:s17+$0x1A650] =	vst v3  }
0x87: {  	v2 =	vld.idx.msk [tilespmem:v2+s2+$0x0], $0xffff  }
0x88: {  	v1 =	vld.idx.msk [tilespmem:v1+s26+$0x0], $0xffff;
	_ =	sdelay $0x5  }
0x89: {  	v1 =	vadd.f32 v1, v2;
	_ =	sdelay $0x1  }
0x8a: {  	v2 =	vmul.f32 $2.000000030e-01, v1;
	_ =	sdelay $0x1  }
0x8b: {  	v1 =	vmax.f32 v1, v2  }
0x8c: {  	v1 =	vmul.f32 $1.442695020e+00, v1;
	_ =	sdelay $0x1  }
0x8d: {  	(erf) = vpow2.f32 v1;
	_ =	sdelay $0x1  }
0x8e: {  	v1 =	vld [tilespmem:s17+$0x196D0]  }
0x8f: {  	v2 =	vld [tilespmem:s17+$0x18730];
	_ =	sdelay $0x5  }
0x90: {  	v3 =	vpop (erf)  }
0x91: {  	[tilespmem:s17+$0x1A660] =	vst v3  }
0x92: {  	v2 =	vld.idx.msk [tilespmem:v2+s2+$0x0], $0xffff  }
0x93: {  	v1 =	vld.idx.msk [tilespmem:v1+s26+$0x0], $0xffff;
	_ =	sdelay $0x5  }
0x94: {  	v1 =	vadd.f32 v1, v2;
	_ =	sdelay $0x1  }
0x95: {  	v2 =	vmul.f32 $2.000000030e-01, v1;
	_ =	sdelay $0x1  }
0x96: {  	v1 =	vmax.f32 v1, v2  }
0x97: {  	v1 =	vmul.f32 $1.442695020e+00, v1;
	_ =	sdelay $0x1  }
0x98: {  	(erf) = vpow2.f32 v1;
	_ =	sdelay $0x1  }
0x99: {  	v1 =	vld [tilespmem:s17+$0x196E0]  }
0x9a: {  	v2 =	vld [tilespmem:s17+$0x18740];
	_ =	sdelay $0x5  }
0x9b: {  	v3 =	vpop (erf)  }
0x9c: {  	[tilespmem:s17+$0x1A670] =	vst v3  }
0x9d: {  	v2 =	vld.idx.msk [tilespmem:v2+s2+$0x0], $0xffff  }
0x9e: {  	v1 =	vld.idx.msk [tilespmem:v1+s26+$0x0], $0xffff;
	_ =	sdelay $0x5  }
0x9f: {  	v1 =	vadd.f32 v1, v2;
	_ =	sdelay $0x1  }
0xa0: {  	v2 =	vmul.f32 $2.000000030e-01, v1;
	_ =	sdelay $0x1  }
0xa1: {  	v1 =	vmax.f32 v1, v2  }
0xa2: {  	v1 =	vmul.f32 $1.442695020e+00, v1;
	_ =	sdelay $0x1  }
.Ltmp0:
0xa3: {  	(erf) = vpow2.f32 v1;
	(pc) =	sbr.rel @p0 .LBB2_3-.Ltmp0, $4  }
0xa4: {  	_ = 	snop  }
0xa5: {  	s20 =	sshra.s32 s19, $0x2  }
0xa6: {  	v1 =	vld [tilespmem:s20+$0x18700]  }
0xa7: {  	v2 =	vld [tilespmem:s20+$0x196A0]  }
0xa8: {  	_ =	sdelay $0x4  }
0xa9: {  	v3 =	vpop (erf)  }
0xaa: {  	[tilespmem:s17+$0x1A680] =	vst v3  }
0xab: {  	v1 =	vld.idx.msk [tilespmem:v1+s2+$0x0], $0xffff  }
0xac: {  	v2 =	vld.idx.msk [tilespmem:v2+s26+$0x0], $0xffff;
	_ =	sdelay $0x4  }
0xad: {  	v1 =	vadd.f32 v2, v1;
	_ =	sdelay $0x1  }
0xae: {  	v2 =	vmul.f32 $2.000000030e-01, v1;
	_ =	sdelay $0x1  }
0xaf: {  	v1 =	vmax.f32 v1, v2  }
0xb0: {  	v1 =	vmul.f32 $1.442695020e+00, v1;
	_ =	sdelay $0x1  }
0xb1: {  	(erf) = vpow2.f32 v1;
	_ =	sdelay $0x2  }
0xb2: {  	v1 =	vld [tilespmem:s20+$0x18710]  }
0xb3: {  	v2 =	vld [tilespmem:s20+$0x196B0];
	_ =	sdelay $0x4  }
0xb4: {  	v3 =	vpop (erf)  }
0xb5: {  	[tilespmem:s20+$0x1A640] =	vst v3  }
0xb6: {  	v1 =	vld.idx.msk [tilespmem:v1+s2+$0x0], $0xffff  }
0xb7: {  	v2 =	vld.idx.msk [tilespmem:v2+s26+$0x0], $0xffff;
	_ =	sdelay $0x4  }
0xb8: {  	v1 =	vadd.f32 v2, v1;
	_ =	sdelay $0x1  }
0xb9: {  	v2 =	vmul.f32 $2.000000030e-01, v1;
	_ =	sdelay $0x1  }
0xba: {  	v1 =	vmax.f32 v1, v2  }
0xbb: {  	v1 =	vmul.f32 $1.442695020e+00, v1;
	_ =	sdelay $0x1  }
0xbc: {  	(erf) = vpow2.f32 v1;
	_ =	sdelay $0x2  }
0xbd: {  	v1 =	vld [tilespmem:s20+$0x18720]  }
0xbe: {  	v2 =	vld [tilespmem:s20+$0x196C0];
	_ =	sdelay $0x4  }
0xbf: {  	v3 =	vpop (erf)  }
0xc0: {  	[tilespmem:s20+$0x1A650] =	vst v3  }
0xc1: {  	v1 =	vld.idx.msk [tilespmem:v1+s2+$0x0], $0xffff  }
0xc2: {  	v2 =	vld.idx.msk [tilespmem:v2+s26+$0x0], $0xffff;
	_ =	sdelay $0x4  }
0xc3: {  	v1 =	vadd.f32 v2, v1;
	_ =	sdelay $0x1  }
0xc4: {  	v2 =	vmul.f32 $2.000000030e-01, v1;
	_ =	sdelay $0x1  }
0xc5: {  	v1 =	vmax.f32 v1, v2  }
0xc6: {  	v1 =	vmul.f32 $1.442695020e+00, v1;
	_ =	sdelay $0x1  }
0xc7: {  	(erf) = vpow2.f32 v1;
	_ =	sdelay $0x2  }
0xc8: {  	v1 =	vld [tilespmem:s20+$0x18730]  }
0xc9: {  	v2 =	vld [tilespmem:s20+$0x196D0];
	_ =	sdelay $0x4  }
0xca: {  	v3 =	vpop (erf)  }
0xcb: {  	[tilespmem:s20+$0x1A660] =	vst v3  }
0xcc: {  	v1 =	vld.idx.msk [tilespmem:v1+s2+$0x0], $0xffff  }
0xcd: {  	v2 =	vld.idx.msk [tilespmem:v2+s26+$0x0], $0xffff;
	_ =	sdelay $0x4  }
0xce: {  	v1 =	vadd.f32 v2, v1;
	_ =	sdelay $0x1  }
0xcf: {  	v2 =	vmul.f32 $2.000000030e-01, v1;
	_ =	sdelay $0x1  }
0xd0: {  	v1 =	vmax.f32 v1, v2  }
0xd1: {  	v1 =	vmul.f32 $1.442695020e+00, v1;
	_ =	sdelay $0x1  }
0xd2: {  	(erf) = vpow2.f32 v1;
	_ =	sdelay $0x2  }
0xd3: {  	v1 =	vld [tilespmem:s20+$0x18740]  }
0xd4: {  	v2 =	vld [tilespmem:s20+$0x196E0];
	_ =	sdelay $0x4  }
0xd5: {  	v3 =	vpop (erf)  }
0xd6: {  	[tilespmem:s20+$0x1A670] =	vst v3  }
0xd7: {  	v1 =	vld.idx.msk [tilespmem:v1+s2+$0x0], $0xffff  }
0xd8: {  	v2 =	vld.idx.msk [tilespmem:v2+s26+$0x0], $0xffff;
	_ =	sdelay $0x4  }
0xd9: {  	v1 =	vadd.f32 v2, v1;
	_ =	sdelay $0x1  }
0xda: {  	v2 =	vmul.f32 $2.000000030e-01, v1;
	_ =	sdelay $0x1  }
0xdb: {  	v1 =	vmax.f32 v1, v2  }
0xdc: {  	v1 =	vmul.f32 $1.442695020e+00, v1;
	_ =	sdelay $0x1  }
0xdd: {  	(erf) = vpow2.f32 v1;
	_ =	sdelay $0x7  }
0xde: {  	s15 =	sadd.s32 s8, s15;
	s13 =	sadd.s32 $0x1, s13  }
0xdf: {  	s15 =	sshrl.u32 s15, $0x3;
	p0 =	sne.s32 s13, $0x32;
	v1 =	vpop (erf)  }
.Ltmp1:
0xe0: {  	s15 =	sadd.s32 s6, s15;
	[tilespmem:s20+$0x1A680] =	vst v1;
	(pc) =	sbr.rel @p0 .LBB2_2-.Ltmp1, $4  }
0xe1: {  	[hbm4b:s15+s2] =	stream.linear.scatter [tilespmem:s30], [sflag:$0x3], $0xFA0, $0x38;
	[tilespmem:$0x1E4C0] =	vst v63  }
0xe2: {  	_ =	swait.ge [sflag:s25], $0xFA0  }
0xe3: {  	[sflag:s25] =	ssyncset.done $0x0  }
0xe4: {  	[sflag:s25] =	ssyncadd.s32 $0xFFFFF060  }
0xe5: {  	[bflag:$0x0] =	sbarrier.arrive $0xFFFF  }
0xe6: {  	s13 =	simm.s32 $0x0;
	s15 =	rddreg [dreg:$0x5]  }
0xe7: {  	[tilespmem:s13], [sflag:$0x3] =	stream.linear.gather [hbm4b:s15+s13], $0xC380, $0x38;
	[tilespmem:$0x1E4C0] =	vst v63  }
0xe8: {  	_ =	swait.ge [sflag:s25], $0xC380  }
0xe9: {  	[sflag:s25] =	ssyncset.done $0x0  }
0xea: {  	s13 =	simm.s32 $0x40;
	s15 =	simm.s32 $0x0;
	[sflag:s25] =	ssyncadd.s32 $0xFFFF3C80  }
.LBB2_6:
0xeb: {  	p0 =	sne.s32 s13, $0x30DC0;
	[tilespmem:s15+$0xC380] =	vst v0;
	s15 =	smov.u32 s13;
	s13 =	sadd.s32 $0x40, s13  }
.Ltmp2:
0xec: {  	(pc) =	sbr.rel @p0 .LBB2_6-.Ltmp2, $2  }
0xed: {  	_ =	sdelay $0x2  }
0xee: {  	s15 =	sshra.s32 s15, $0x2  }
0xef: {  	[tilespmem:s15+$0xC380] =	vst v0;
	s13 =	simm.s32 $0x0  }
0xf0: {  	[tilespmem:s28], [sflag:$0x1] =	stream.linear.gather [hbm4b:s4+s13], $0xFA0, $0x38;
	[tilespmem:$0x1E4C0] =	vst v63  }
0xf1: {  	_ = 	snop  }
0xf2: {  	[tilespmem:s29], [sflag:$0x1] =	stream.linear.gather [hbm4b:s5+s13], $0xFA0, $0x38;
	[tilespmem:$0x1E4C0] =	vst v63  }
0xf3: {  	s21 =	rddreg [dreg:$0x6];
	s15 =	simm.s32 $0x0  }
0xf4: {  	[tilespmem:s30], [sflag:$0x1] =	stream.linear.gather [hbm4b:s21+s13], $0xFA0, $0x38;
	[tilespmem:$0x1E4C0] =	vst v63  }
.LBB2_8:
0xf5: {  	_ =	swait.ge [sflag:s3], $0xFA0  }
0xf6: {  	[sflag:s3] =	ssyncset.done $0x0  }
0xf7: {  	[sflag:s3] =	ssyncadd.s32 $0xFFFFF060  }
0xf8: {  	_ =	swait.ge [sflag:s3], $0xFA0  }
0xf9: {  	s17 =	smul.u32 $0x1F40, s15;
	[sflag:s3] =	ssyncset.done $0x0  }
0xfa: {  	[sflag:s3] =	ssyncadd.s32 $0xFFFFF060  }
0xfb: {  	s18 =	sadd.s32 $0xFA0, s17;
	_ =	swait.ge [sflag:s3], $0xFA0  }
0xfc: {  	s19 =	sshrl.u32 s18, $0x3;
	[sflag:s3] =	ssyncset.done $0x0  }
0xfd: {  	s18 =	sadd.s32 s10, s18;
	s20 =	sadd.s32 s4, s19;
	[sflag:s3] =	ssyncadd.s32 $0xFFFFF060  }
0xfe: {  	[tilespmem:s31], [sflag:$0x2] =	stream.linear.gather [hbm4b:s20+s13], $0xFA0, $0x38;
	[tilespmem:$0x1E4C0] =	vst v63  }
0xff: {  	s19 =	sadd.s32 s5, s19;
	s18 =	sshrl.u32 s18, $0x3  }
0x100: {  	[tilespmem:s1], [sflag:$0x2] =	stream.linear.gather [hbm4b:s19+s13], $0xFA0, $0x38;
	[tilespmem:$0x1E4C0] =	vst v63  }
0x101: {  	s18 =	sadd.s32 s6, s18  }
0x102: {  	[tilespmem:s0], [sflag:$0x2] =	stream.linear.gather [hbm4b:s18+s13], $0xFA0, $0x38;
	[tilespmem:$0x1E4C0] =	vst v63  }
0x103: {  	s18 =	simm.s32 $0x0  }
.LBB2_9:
0x104: {  	s19 =	sshra.s32 s18, $0x2  }
0x105: {  	v1 =	vld [tilespmem:s19+$0x18700];
	_ =	sdelay $0x5  }
0x106: {  	v2 =	vld [tilespmem:s19+$0x1A640]  }
0x107: {  	v3 =	vld [tilespmem:s19+$0x196A0]  }
0x108: {  	v1 =	vld.idx.msk [tilespmem:v1+s2+$0x0], $0xffff;
	_ =	sdelay $0x4  }
0x109: {  	v1 =	vmul.f32 v1, v2;
	_ =	sdelay $0x1  }
0x10a: {  	[tilespmem:v3+s26+$0x0] =	vst.idx.add.f32.msk $0xffff, v1  }
0x10b: {  	v1 =	vld [tilespmem:s19+$0x18710];
	_ =	sdelay $0x5  }
0x10c: {  	v2 =	vld [tilespmem:s19+$0x1A650]  }
0x10d: {  	v3 =	vld [tilespmem:s19+$0x196B0]  }
0x10e: {  	v1 =	vld.idx.msk [tilespmem:v1+s2+$0x0], $0xffff;
	_ =	sdelay $0x4  }
0x10f: {  	v1 =	vmul.f32 v1, v2;
	_ =	sdelay $0x1  }
0x110: {  	[tilespmem:v3+s26+$0x0] =	vst.idx.add.f32.msk $0xffff, v1  }
0x111: {  	v1 =	vld [tilespmem:s19+$0x18720];
	_ =	sdelay $0x5  }
0x112: {  	v2 =	vld [tilespmem:s19+$0x1A660]  }
0x113: {  	v3 =	vld [tilespmem:s19+$0x196C0]  }
0x114: {  	v1 =	vld.idx.msk [tilespmem:v1+s2+$0x0], $0xffff;
	_ =	sdelay $0x4  }
0x115: {  	v1 =	vmul.f32 v1, v2;
	_ =	sdelay $0x1  }
0x116: {  	[tilespmem:v3+s26+$0x0] =	vst.idx.add.f32.msk $0xffff, v1  }
0x117: {  	v1 =	vld [tilespmem:s19+$0x18730];
	_ =	sdelay $0x5  }
0x118: {  	v2 =	vld [tilespmem:s19+$0x1A670]  }
0x119: {  	v3 =	vld [tilespmem:s19+$0x196D0]  }
0x11a: {  	v1 =	vld.idx.msk [tilespmem:v1+s2+$0x0], $0xffff;
	_ =	sdelay $0x4  }
0x11b: {  	v1 =	vmul.f32 v1, v2;
	_ =	sdelay $0x1  }
0x11c: {  	[tilespmem:v3+s26+$0x0] =	vst.idx.add.f32.msk $0xffff, v1  }
0x11d: {  	v1 =	vld [tilespmem:s19+$0x18740];
	_ =	sdelay $0x5  }
0x11e: {  	v2 =	vld [tilespmem:s19+$0x1A680]  }
0x11f: {  	v3 =	vld [tilespmem:s19+$0x196E0]  }
0x120: {  	v1 =	vld.idx.msk [tilespmem:v1+s2+$0x0], $0xffff;
	_ =	sdelay $0x1  }
0x121: {  	p0 =	sne.s32 s18, $0x3D40  }
.Ltmp3:
0x122: {  	_ = 	snop;
	(pc) =	sbr.rel @p0 .LBB2_9-.Ltmp3, $3  }
0x123: {  	_ = 	snop  }
0x124: {  	v1 =	vmul.f32 v1, v2;
	_ =	sdelay $0x1  }
0x125: {  	s18 =	sadd.s32 $0x140, s18;
	[tilespmem:v3+s26+$0x0] =	vst.idx.add.f32.msk $0xffff, v1  }
0x126: {  	_ =	swait.ge [sflag:s9], $0xFA0  }
0x127: {  	[sflag:s9] =	ssyncset.done $0x0  }
0x128: {  	[sflag:s9] =	ssyncadd.s32 $0xFFFFF060  }
0x129: {  	_ =	swait.ge [sflag:s9], $0xFA0  }
0x12a: {  	[sflag:s9] =	ssyncset.done $0x0  }
0x12b: {  	p0 =	seq.s32 s15, $0x63;
	[sflag:s9] =	ssyncadd.s32 $0xFFFFF060  }
0x12c: {  	s17 =	sadd.s32 @!p0 $0x1F40, s17;
	s20 =	simm.s32 @!p0 $0x0;
	_ =	swait.ge [sflag:s9], $0xFA0  }
0x12d: {  	s21 =	simm.s32 @!p0 $0x18700;
	s18 =	sshrl.u32 @!p0 s17, $0x3;
	[sflag:s9] =	ssyncset.done $0x0  }
0x12e: {  	s17 =	sadd.s32 @!p0 s10, s17;
	s19 =	sadd.s32 @!p0 s4, s18;
	[sflag:s9] =	ssyncadd.s32 $0xFFFFF060  }
0x12f: {  	[tilespmem:s21], [sflag:$0x1] =	stream.linear.gather @!p0 [hbm4b:s19+s20], $0xFA0, $0x38;
	[tilespmem:$0x1E4C0] =	vst v63  }
0x130: {  	s18 =	sadd.s32 @!p0 s5, s18;
	s17 =	sshrl.u32 @!p0 s17, $0x3;
	s19 =	simm.s32 @!p0 $0x196A0  }
0x131: {  	[tilespmem:s19], [sflag:$0x1] =	stream.linear.gather @!p0 [hbm4b:s18+s20], $0xFA0, $0x38;
	[tilespmem:$0x1E4C0] =	vst v63  }
0x132: {  	s17 =	sadd.s32 @!p0 s6, s17;
	s18 =	simm.s32 @!p0 $0x1A640  }
0x133: {  	[tilespmem:s18], [sflag:$0x1] =	stream.linear.gather @!p0 [hbm4b:s17+s20], $0xFA0, $0x38;
	[tilespmem:$0x1E4C0] =	vst v63  }
0x134: {  	s17 =	simm.s32 $0x0  }
.LBB2_11:
0x135: {  	s18 =	sshra.s32 s17, $0x2  }
0x136: {  	v1 =	vld [tilespmem:s18+$0x1B5E0];
	_ =	sdelay $0x5  }
0x137: {  	v2 =	vld [tilespmem:s18+$0x1D520]  }
0x138: {  	v3 =	vld [tilespmem:s18+$0x1C580]  }
0x139: {  	v1 =	vld.idx.msk [tilespmem:v1+s2+$0x0], $0xffff;
	_ =	sdelay $0x4  }
0x13a: {  	v1 =	vmul.f32 v1, v2;
	_ =	sdelay $0x1  }
0x13b: {  	[tilespmem:v3+s26+$0x0] =	vst.idx.add.f32.msk $0xffff, v1  }
0x13c: {  	v1 =	vld [tilespmem:s18+$0x1B5F0];
	_ =	sdelay $0x5  }
0x13d: {  	v2 =	vld [tilespmem:s18+$0x1D530]  }
0x13e: {  	v3 =	vld [tilespmem:s18+$0x1C590]  }
0x13f: {  	v1 =	vld.idx.msk [tilespmem:v1+s2+$0x0], $0xffff;
	_ =	sdelay $0x4  }
0x140: {  	v1 =	vmul.f32 v1, v2;
	_ =	sdelay $0x1  }
0x141: {  	[tilespmem:v3+s26+$0x0] =	vst.idx.add.f32.msk $0xffff, v1  }
0x142: {  	v1 =	vld [tilespmem:s18+$0x1B600];
	_ =	sdelay $0x5  }
0x143: {  	v2 =	vld [tilespmem:s18+$0x1D540]  }
0x144: {  	v3 =	vld [tilespmem:s18+$0x1C5A0]  }
0x145: {  	v1 =	vld.idx.msk [tilespmem:v1+s2+$0x0], $0xffff;
	_ =	sdelay $0x4  }
0x146: {  	v1 =	vmul.f32 v1, v2;
	_ =	sdelay $0x1  }
0x147: {  	[tilespmem:v3+s26+$0x0] =	vst.idx.add.f32.msk $0xffff, v1  }
0x148: {  	v1 =	vld [tilespmem:s18+$0x1B610];
	_ =	sdelay $0x5  }
0x149: {  	v2 =	vld [tilespmem:s18+$0x1D550]  }
0x14a: {  	v3 =	vld [tilespmem:s18+$0x1C5B0]  }
0x14b: {  	v1 =	vld.idx.msk [tilespmem:v1+s2+$0x0], $0xffff;
	_ =	sdelay $0x4  }
0x14c: {  	v1 =	vmul.f32 v1, v2;
	_ =	sdelay $0x1  }
0x14d: {  	[tilespmem:v3+s26+$0x0] =	vst.idx.add.f32.msk $0xffff, v1  }
0x14e: {  	v1 =	vld [tilespmem:s18+$0x1B620];
	_ =	sdelay $0x5  }
0x14f: {  	v2 =	vld [tilespmem:s18+$0x1D560]  }
0x150: {  	v3 =	vld [tilespmem:s18+$0x1C5C0]  }
0x151: {  	v1 =	vld.idx.msk [tilespmem:v1+s2+$0x0], $0xffff;
	_ =	sdelay $0x1  }
0x152: {  	p0 =	sne.s32 s17, $0x3D40  }
.Ltmp4:
0x153: {  	_ = 	snop;
	(pc) =	sbr.rel @p0 .LBB2_11-.Ltmp4, $3  }
0x154: {  	_ = 	snop  }
0x155: {  	v1 =	vmul.f32 v1, v2;
	_ =	sdelay $0x1  }
0x156: {  	s17 =	sadd.s32 $0x140, s17;
	[tilespmem:v3+s26+$0x0] =	vst.idx.add.f32.msk $0xffff, v1  }
0x157: {  	s15 =	sadd.s32 $0x1, s15  }
0x158: {  	p0 =	sne.s32 s15, $0x64  }
.Ltmp5:
0x159: {  	_ = 	snop;
	(pc) =	sbr.rel @p0 .LBB2_8-.Ltmp5, $1  }
0x15a: {  	_ =	sdelay $0x3  }
0x15b: {  	s13 =	simm.s32 $0x0  }
0x15c: {  	[hbm4b:s16+s13] =	stream.linear.scatter [tilespmem:s26], [sflag:$0x3], $0xC380, $0x38;
	[tilespmem:$0x1E4C0] =	vst v63  }
0x15d: {  	_ =	swait.ge [sflag:s25], $0xC380  }
0x15e: {  	[sflag:s25] =	ssyncset.done $0x0  }
0x15f: {  	s15 =	rddreg [dreg:$0x7];
	[sflag:s25] =	ssyncadd.s32 $0xFFFF3C80  }
0x160: {  	[tilespmem:s13], [sflag:$0x3] =	stream.linear.gather [hbm4b:s15+s13], $0xC380, $0x38;
	[tilespmem:$0x1E4C0] =	vst v63  }
0x161: {  	_ =	swait.ge [sflag:s25], $0xC380  }
0x162: {  	[sflag:s25] =	ssyncset.done $0x0  }
0x163: {  	s13 =	simm.s32 $0x40;
	s15 =	simm.s32 $0x0;
	[sflag:s25] =	ssyncadd.s32 $0xFFFF3C80  }
.LBB2_14:
0x164: {  	p0 =	sne.s32 s13, $0x30DC0;
	[tilespmem:s15+$0xC380] =	vst v0;
	s15 =	smov.u32 s13;
	s13 =	sadd.s32 $0x40, s13  }
.Ltmp6:
0x165: {  	(pc) =	sbr.rel @p0 .LBB2_14-.Ltmp6, $2  }
0x166: {  	_ =	sdelay $0x2  }
0x167: {  	s15 =	sshra.s32 s15, $0x2  }
0x168: {  	[tilespmem:s15+$0xC380] =	vst v0;
	s13 =	simm.s32 $0x0  }
0x169: {  	[tilespmem:s28], [sflag:$0x1] =	stream.linear.gather [hbm4b:s4+s13], $0xFA0, $0x38;
	[tilespmem:$0x1E4C0] =	vst v63  }
0x16a: {  	_ = 	snop  }
0x16b: {  	[tilespmem:s29], [sflag:$0x1] =	stream.linear.gather [hbm4b:s5+s13], $0xFA0, $0x38;
	[tilespmem:$0x1E4C0] =	vst v63  }
0x16c: {  	s21 =	rddreg [dreg:$0x8];
	s15 =	simm.s32 $0x0  }
0x16d: {  	[tilespmem:s30], [sflag:$0x1] =	stream.linear.gather [hbm4b:s21+s13], $0xFA0, $0x38;
	[tilespmem:$0x1E4C0] =	vst v63  }
.LBB2_16:
0x16e: {  	_ =	swait.ge [sflag:s3], $0xFA0  }
0x16f: {  	[sflag:s3] =	ssyncset.done $0x0  }
0x170: {  	[sflag:s3] =	ssyncadd.s32 $0xFFFFF060  }
0x171: {  	_ =	swait.ge [sflag:s3], $0xFA0  }
0x172: {  	s17 =	smul.u32 $0x1F40, s15;
	[sflag:s3] =	ssyncset.done $0x0  }
0x173: {  	[sflag:s3] =	ssyncadd.s32 $0xFFFFF060  }
0x174: {  	s18 =	sadd.s32 $0xFA0, s17;
	_ =	swait.ge [sflag:s3], $0xFA0  }
0x175: {  	s19 =	sshrl.u32 s18, $0x3;
	[sflag:s3] =	ssyncset.done $0x0  }
0x176: {  	s18 =	sadd.s32 s12, s18;
	s20 =	sadd.s32 s4, s19;
	[sflag:s3] =	ssyncadd.s32 $0xFFFFF060  }
0x177: {  	[tilespmem:s31], [sflag:$0x2] =	stream.linear.gather [hbm4b:s20+s13], $0xFA0, $0x38;
	[tilespmem:$0x1E4C0] =	vst v63  }
0x178: {  	s19 =	sadd.s32 s5, s19;
	s18 =	sshrl.u32 s18, $0x3  }
0x179: {  	[tilespmem:s1], [sflag:$0x2] =	stream.linear.gather [hbm4b:s19+s13], $0xFA0, $0x38;
	[tilespmem:$0x1E4C0] =	vst v63  }
0x17a: {  	s18 =	sadd.s32 s6, s18  }
0x17b: {  	[tilespmem:s0], [sflag:$0x2] =	stream.linear.gather [hbm4b:s18+s13], $0xFA0, $0x38;
	[tilespmem:$0x1E4C0] =	vst v63  }
0x17c: {  	s18 =	simm.s32 $0x0  }
.LBB2_17:
0x17d: {  	s19 =	sshra.s32 s18, $0x2  }
0x17e: {  	v1 =	vld [tilespmem:s19+$0x18700];
	_ =	sdelay $0x5  }
0x17f: {  	v2 =	vld [tilespmem:s19+$0x1A640]  }
0x180: {  	v3 =	vld [tilespmem:s19+$0x196A0]  }
0x181: {  	v1 =	vld.idx.msk [tilespmem:v1+s2+$0x0], $0xffff;
	_ =	sdelay $0x4  }
0x182: {  	v1 =	vmul.f32 v1, v2;
	_ =	sdelay $0x1  }
0x183: {  	[tilespmem:v3+s26+$0x0] =	vst.idx.add.f32.msk $0xffff, v1  }
0x184: {  	v1 =	vld [tilespmem:s19+$0x18710];
	_ =	sdelay $0x5  }
0x185: {  	v2 =	vld [tilespmem:s19+$0x1A650]  }
0x186: {  	v3 =	vld [tilespmem:s19+$0x196B0]  }
0x187: {  	v1 =	vld.idx.msk [tilespmem:v1+s2+$0x0], $0xffff;
	_ =	sdelay $0x4  }
0x188: {  	v1 =	vmul.f32 v1, v2;
	_ =	sdelay $0x1  }
0x189: {  	[tilespmem:v3+s26+$0x0] =	vst.idx.add.f32.msk $0xffff, v1  }
0x18a: {  	v1 =	vld [tilespmem:s19+$0x18720];
	_ =	sdelay $0x5  }
0x18b: {  	v2 =	vld [tilespmem:s19+$0x1A660]  }
0x18c: {  	v3 =	vld [tilespmem:s19+$0x196C0]  }
0x18d: {  	v1 =	vld.idx.msk [tilespmem:v1+s2+$0x0], $0xffff;
	_ =	sdelay $0x4  }
0x18e: {  	v1 =	vmul.f32 v1, v2;
	_ =	sdelay $0x1  }
0x18f: {  	[tilespmem:v3+s26+$0x0] =	vst.idx.add.f32.msk $0xffff, v1  }
0x190: {  	v1 =	vld [tilespmem:s19+$0x18730];
	_ =	sdelay $0x5  }
0x191: {  	v2 =	vld [tilespmem:s19+$0x1A670]  }
0x192: {  	v3 =	vld [tilespmem:s19+$0x196D0]  }
0x193: {  	v1 =	vld.idx.msk [tilespmem:v1+s2+$0x0], $0xffff;
	_ =	sdelay $0x4  }
0x194: {  	v1 =	vmul.f32 v1, v2;
	_ =	sdelay $0x1  }
0x195: {  	[tilespmem:v3+s26+$0x0] =	vst.idx.add.f32.msk $0xffff, v1  }
0x196: {  	v1 =	vld [tilespmem:s19+$0x18740];
	_ =	sdelay $0x5  }
0x197: {  	v2 =	vld [tilespmem:s19+$0x1A680]  }
0x198: {  	v3 =	vld [tilespmem:s19+$0x196E0]  }
0x199: {  	v1 =	vld.idx.msk [tilespmem:v1+s2+$0x0], $0xffff;
	_ =	sdelay $0x1  }
0x19a: {  	p0 =	sne.s32 s18, $0x3D40  }
.Ltmp7:
0x19b: {  	_ = 	snop;
	(pc) =	sbr.rel @p0 .LBB2_17-.Ltmp7, $3  }
0x19c: {  	_ = 	snop  }
0x19d: {  	v1 =	vmul.f32 v1, v2;
	_ =	sdelay $0x1  }
0x19e: {  	s18 =	sadd.s32 $0x140, s18;
	[tilespmem:v3+s26+$0x0] =	vst.idx.add.f32.msk $0xffff, v1  }
0x19f: {  	_ =	swait.ge [sflag:s9], $0xFA0  }
0x1a0: {  	[sflag:s9] =	ssyncset.done $0x0  }
0x1a1: {  	[sflag:s9] =	ssyncadd.s32 $0xFFFFF060  }
0x1a2: {  	_ =	swait.ge [sflag:s9], $0xFA0  }
0x1a3: {  	[sflag:s9] =	ssyncset.done $0x0  }
0x1a4: {  	p0 =	seq.s32 s15, $0x63;
	[sflag:s9] =	ssyncadd.s32 $0xFFFFF060  }
0x1a5: {  	s17 =	sadd.s32 @!p0 $0x1F40, s17;
	s20 =	simm.s32 @!p0 $0x0;
	_ =	swait.ge [sflag:s9], $0xFA0  }
0x1a6: {  	s21 =	simm.s32 @!p0 $0x18700;
	s18 =	sshrl.u32 @!p0 s17, $0x3;
	[sflag:s9] =	ssyncset.done $0x0  }
0x1a7: {  	s17 =	sadd.s32 @!p0 s12, s17;
	s19 =	sadd.s32 @!p0 s4, s18;
	[sflag:s9] =	ssyncadd.s32 $0xFFFFF060  }
0x1a8: {  	[tilespmem:s21], [sflag:$0x1] =	stream.linear.gather @!p0 [hbm4b:s19+s20], $0xFA0, $0x38;
	[tilespmem:$0x1E4C0] =	vst v63  }
0x1a9: {  	s18 =	sadd.s32 @!p0 s5, s18;
	s17 =	sshrl.u32 @!p0 s17, $0x3;
	s19 =	simm.s32 @!p0 $0x196A0  }
0x1aa: {  	[tilespmem:s19], [sflag:$0x1] =	stream.linear.gather @!p0 [hbm4b:s18+s20], $0xFA0, $0x38;
	[tilespmem:$0x1E4C0] =	vst v63  }
0x1ab: {  	s17 =	sadd.s32 @!p0 s6, s17;
	s18 =	simm.s32 @!p0 $0x1A640  }
0x1ac: {  	[tilespmem:s18], [sflag:$0x1] =	stream.linear.gather @!p0 [hbm4b:s17+s20], $0xFA0, $0x38;
	[tilespmem:$0x1E4C0] =	vst v63  }
0x1ad: {  	s17 =	simm.s32 $0x0  }
.LBB2_19:
0x1ae: {  	s18 =	sshra.s32 s17, $0x2  }
0x1af: {  	v1 =	vld [tilespmem:s18+$0x1B5E0];
	_ =	sdelay $0x5  }
0x1b0: {  	v2 =	vld [tilespmem:s18+$0x1D520]  }
0x1b1: {  	v3 =	vld [tilespmem:s18+$0x1C580]  }
0x1b2: {  	v1 =	vld.idx.msk [tilespmem:v1+s2+$0x0], $0xffff;
	_ =	sdelay $0x4  }
0x1b3: {  	v1 =	vmul.f32 v1, v2;
	_ =	sdelay $0x1  }
0x1b4: {  	[tilespmem:v3+s26+$0x0] =	vst.idx.add.f32.msk $0xffff, v1  }
0x1b5: {  	v1 =	vld [tilespmem:s18+$0x1B5F0];
	_ =	sdelay $0x5  }
0x1b6: {  	v2 =	vld [tilespmem:s18+$0x1D530]  }
0x1b7: {  	v3 =	vld [tilespmem:s18+$0x1C590]  }
0x1b8: {  	v1 =	vld.idx.msk [tilespmem:v1+s2+$0x0], $0xffff;
	_ =	sdelay $0x4  }
0x1b9: {  	v1 =	vmul.f32 v1, v2;
	_ =	sdelay $0x1  }
0x1ba: {  	[tilespmem:v3+s26+$0x0] =	vst.idx.add.f32.msk $0xffff, v1  }
0x1bb: {  	v1 =	vld [tilespmem:s18+$0x1B600];
	_ =	sdelay $0x5  }
0x1bc: {  	v2 =	vld [tilespmem:s18+$0x1D540]  }
0x1bd: {  	v3 =	vld [tilespmem:s18+$0x1C5A0]  }
0x1be: {  	v1 =	vld.idx.msk [tilespmem:v1+s2+$0x0], $0xffff;
	_ =	sdelay $0x4  }
0x1bf: {  	v1 =	vmul.f32 v1, v2;
	_ =	sdelay $0x1  }
0x1c0: {  	[tilespmem:v3+s26+$0x0] =	vst.idx.add.f32.msk $0xffff, v1  }
0x1c1: {  	v1 =	vld [tilespmem:s18+$0x1B610];
	_ =	sdelay $0x5  }
0x1c2: {  	v2 =	vld [tilespmem:s18+$0x1D550]  }
0x1c3: {  	v3 =	vld [tilespmem:s18+$0x1C5B0]  }
0x1c4: {  	v1 =	vld.idx.msk [tilespmem:v1+s2+$0x0], $0xffff;
	_ =	sdelay $0x4  }
0x1c5: {  	v1 =	vmul.f32 v1, v2;
	_ =	sdelay $0x1  }
0x1c6: {  	[tilespmem:v3+s26+$0x0] =	vst.idx.add.f32.msk $0xffff, v1  }
0x1c7: {  	v1 =	vld [tilespmem:s18+$0x1B620];
	_ =	sdelay $0x5  }
0x1c8: {  	v2 =	vld [tilespmem:s18+$0x1D560]  }
0x1c9: {  	v3 =	vld [tilespmem:s18+$0x1C5C0]  }
0x1ca: {  	v1 =	vld.idx.msk [tilespmem:v1+s2+$0x0], $0xffff;
	_ =	sdelay $0x1  }
0x1cb: {  	p0 =	sne.s32 s17, $0x3D40  }
.Ltmp8:
0x1cc: {  	_ = 	snop;
	(pc) =	sbr.rel @p0 .LBB2_19-.Ltmp8, $3  }
0x1cd: {  	_ = 	snop  }
0x1ce: {  	v1 =	vmul.f32 v1, v2;
	_ =	sdelay $0x1  }
0x1cf: {  	s17 =	sadd.s32 $0x140, s17;
	[tilespmem:v3+s26+$0x0] =	vst.idx.add.f32.msk $0xffff, v1  }
0x1d0: {  	s15 =	sadd.s32 $0x1, s15  }
0x1d1: {  	p0 =	sne.s32 s15, $0x64  }
.Ltmp9:
0x1d2: {  	_ = 	snop;
	(pc) =	sbr.rel @p0 .LBB2_16-.Ltmp9, $1  }
0x1d3: {  	_ =	sdelay $0x3  }
0x1d4: {  	s13 =	simm.s32 $0x0;
	s15 =	rddreg [dreg:$0x9]  }
0x1d5: {  	[hbm4b:s15+s13] =	stream.linear.scatter [tilespmem:s26], [sflag:$0x3], $0xC380, $0x38;
	[tilespmem:$0x1E4C0] =	vst v63  }
0x1d6: {  	_ =	swait.ge [sflag:s25], $0xC380  }
0x1d7: {  	[sflag:s25] =	ssyncset.done $0x0  }
0x1d8: {  	s13 =	simm.s32 $0x40;
	s15 =	simm.s32 $0x0;
	[sflag:s25] =	ssyncadd.s32 $0xFFFF3C80  }
.LBB2_22:
0x1d9: {  	p0 =	sne.s32 s13, $0x30DC0;
	[tilespmem:s15+$0xC380] =	vst v0;
	s15 =	smov.u32 s13;
	s13 =	sadd.s32 $0x40, s13  }
.Ltmp10:
0x1da: {  	(pc) =	sbr.rel @p0 .LBB2_22-.Ltmp10, $2  }
0x1db: {  	_ =	sdelay $0x2  }
0x1dc: {  	s15 =	sshra.s32 s15, $0x2  }
0x1dd: {  	[tilespmem:s15+$0xC380] =	vst v0;
	s13 =	simm.s32 $0x0;
	s20 =	rddreg [dreg:$0xa]  }
0x1de: {  	[tilespmem:s29], [sflag:$0x1] =	stream.linear.gather [hbm4b:s20+s13], $0xFA0, $0x38;
	[tilespmem:$0x1E4C0] =	vst v63  }
0x1df: {  	s21 =	rddreg [dreg:$0xb];
	s15 =	simm.s32 $0x0  }
0x1e0: {  	[tilespmem:s30], [sflag:$0x1] =	stream.linear.gather [hbm4b:s21+s13], $0xFA0, $0x38;
	[tilespmem:$0x1E4C0] =	vst v63  }
.LBB2_24:
0x1e1: {  	s17 =	sshll.u32 s15, $0x1  }
0x1e2: {  	_ =	swait.ge [sflag:s3], $0xFA0;
	s17 =	sadd.s32 s7, s17  }
0x1e3: {  	[sflag:s3] =	ssyncset.done $0x0;
	s18 =	smul.u32 $0xFA0, s17  }
0x1e4: {  	[sflag:s3] =	ssyncadd.s32 $0xFFFFF060  }
0x1e5: {  	_ =	swait.ge [sflag:s3], $0xFA0;
	s18 =	sadd.s32 $0xFA0, s18  }
0x1e6: {  	[sflag:s3] =	ssyncset.done $0x0;
	s19 =	sshrl.u32 s18, $0x3;
	s18 =	sadd.s32 s14, s18  }
0x1e7: {  	[sflag:s3] =	ssyncadd.s32 $0xFFFFF060;
	s19 =	sadd.s32 s5, s19;
	s18 =	sshrl.u32 s18, $0x3  }
0x1e8: {  	[tilespmem:s1], [sflag:$0x2] =	stream.linear.gather [hbm4b:s19+s13], $0xFA0, $0x38;
	[tilespmem:$0x1E4C0] =	vst v63  }
0x1e9: {  	s18 =	sadd.s32 s6, s18  }
0x1ea: {  	[tilespmem:s0], [sflag:$0x2] =	stream.linear.gather [hbm4b:s18+s13], $0xFA0, $0x38;
	[tilespmem:$0x1E4C0] =	vst v63  }
0x1eb: {  	s18 =	simm.s32 $0x0  }
.LBB2_25:
0x1ec: {  	s19 =	sshra.s32 s18, $0x2  }
0x1ed: {  	v1 =	vld [tilespmem:s19+$0x196A0];
	_ =	sdelay $0x2  }
0x1ee: {  	v2 =	vld [tilespmem:s19+$0x1A640];
	_ =	sdelay $0x4  }
0x1ef: {  	[tilespmem:v1+s26+$0x0] =	vst.idx.add.f32.msk $0xffff, v2  }
0x1f0: {  	v1 =	vld [tilespmem:s19+$0x196B0];
	_ =	sdelay $0x2  }
0x1f1: {  	v2 =	vld [tilespmem:s19+$0x1A650];
	_ =	sdelay $0x4  }
0x1f2: {  	[tilespmem:v1+s26+$0x0] =	vst.idx.add.f32.msk $0xffff, v2  }
0x1f3: {  	v1 =	vld [tilespmem:s19+$0x196C0];
	_ =	sdelay $0x2  }
0x1f4: {  	v2 =	vld [tilespmem:s19+$0x1A660];
	_ =	sdelay $0x4  }
0x1f5: {  	[tilespmem:v1+s26+$0x0] =	vst.idx.add.f32.msk $0xffff, v2  }
0x1f6: {  	v1 =	vld [tilespmem:s19+$0x196D0];
	_ =	sdelay $0x2  }
0x1f7: {  	v2 =	vld [tilespmem:s19+$0x1A670];
	_ =	sdelay $0x4  }
0x1f8: {  	[tilespmem:v1+s26+$0x0] =	vst.idx.add.f32.msk $0xffff, v2  }
0x1f9: {  	v1 =	vld [tilespmem:s19+$0x196E0];
	_ =	sdelay $0x2  }
0x1fa: {  	p0 =	sne.s32 s18, $0x3D40;
	v2 =	vld [tilespmem:s19+$0x1A680]  }
.Ltmp11:
0x1fb: {  	_ = 	snop;
	(pc) =	sbr.rel @p0 .LBB2_25-.Ltmp11, $2  }
0x1fc: {  	_ =	sdelay $0x2  }
0x1fd: {  	s18 =	sadd.s32 $0x140, s18;
	[tilespmem:v1+s26+$0x0] =	vst.idx.add.f32.msk $0xffff, v2  }
0x1fe: {  	_ =	swait.ge [sflag:s9], $0xFA0;
	s17 =	sadd.s32 $0x2, s17  }
0x1ff: {  	[sflag:s9] =	ssyncset.done $0x0;
	p0 =	sge.u32 s17, s22  }
0x200: {  	[sflag:s9] =	ssyncadd.s32 $0xFFFFF060;
	s17 =	smul.u32 @!p0 $0xFA0, s17  }
0x201: {  	s19 =	simm.s32 @!p0 $0x0;
	s20 =	simm.s32 @!p0 $0x196A0;
	_ =	swait.ge [sflag:s9], $0xFA0  }
0x202: {  	[sflag:s9] =	ssyncset.done $0x0;
	s18 =	sshrl.u32 @!p0 s17, $0x3;
	s17 =	sadd.s32 @!p0 s14, s17  }
0x203: {  	[sflag:s9] =	ssyncadd.s32 $0xFFFFF060;
	s18 =	sadd.s32 @!p0 s5, s18;
	s17 =	sshrl.u32 @!p0 s17, $0x3  }
0x204: {  	[tilespmem:s20], [sflag:$0x1] =	stream.linear.gather @!p0 [hbm4b:s18+s19], $0xFA0, $0x38;
	[tilespmem:$0x1E4C0] =	vst v63  }
0x205: {  	s17 =	sadd.s32 @!p0 s6, s17;
	s18 =	simm.s32 @!p0 $0x1A640  }
0x206: {  	[tilespmem:s18], [sflag:$0x1] =	stream.linear.gather @!p0 [hbm4b:s17+s19], $0xFA0, $0x38;
	[tilespmem:$0x1E4C0] =	vst v63  }
0x207: {  	s17 =	simm.s32 $0x0  }
.LBB2_27:
0x208: {  	s18 =	sshra.s32 s17, $0x2  }
0x209: {  	v1 =	vld [tilespmem:s18+$0x1C580];
	_ =	sdelay $0x2  }
0x20a: {  	v2 =	vld [tilespmem:s18+$0x1D520];
	_ =	sdelay $0x4  }
0x20b: {  	[tilespmem:v1+s26+$0x0] =	vst.idx.add.f32.msk $0xffff, v2  }
0x20c: {  	v1 =	vld [tilespmem:s18+$0x1C590];
	_ =	sdelay $0x2  }
0x20d: {  	v2 =	vld [tilespmem:s18+$0x1D530];
	_ =	sdelay $0x4  }
0x20e: {  	[tilespmem:v1+s26+$0x0] =	vst.idx.add.f32.msk $0xffff, v2  }
0x20f: {  	v1 =	vld [tilespmem:s18+$0x1C5A0];
	_ =	sdelay $0x2  }
0x210: {  	v2 =	vld [tilespmem:s18+$0x1D540];
	_ =	sdelay $0x4  }
0x211: {  	[tilespmem:v1+s26+$0x0] =	vst.idx.add.f32.msk $0xffff, v2  }
0x212: {  	v1 =	vld [tilespmem:s18+$0x1C5B0];
	_ =	sdelay $0x2  }
0x213: {  	v2 =	vld [tilespmem:s18+$0x1D550];
	_ =	sdelay $0x4  }
0x214: {  	[tilespmem:v1+s26+$0x0] =	vst.idx.add.f32.msk $0xffff, v2  }
0x215: {  	v1 =	vld [tilespmem:s18+$0x1C5C0];
	_ =	sdelay $0x2  }
0x216: {  	p0 =	sne.s32 s17, $0x3D40;
	v2 =	vld [tilespmem:s18+$0x1D560]  }
.Ltmp12:
0x217: {  	_ = 	snop;
	(pc) =	sbr.rel @p0 .LBB2_27-.Ltmp12, $2  }
0x218: {  	_ =	sdelay $0x2  }
0x219: {  	s17 =	sadd.s32 $0x140, s17;
	[tilespmem:v1+s26+$0x0] =	vst.idx.add.f32.msk $0xffff, v2  }
0x21a: {  	s15 =	sadd.s32 $0x1, s15  }
0x21b: {  	p0 =	sne.s32 s15, $0x19  }
.Ltmp13:
0x21c: {  	_ = 	snop;
	(pc) =	sbr.rel @p0 .LBB2_24-.Ltmp13, $1  }
0x21d: {  	_ =	sdelay $0x3  }
0x21e: {  	s11 =	sadd.s32 $0x1, s11  }
0x21f: {  	p0 =	sne.s32 s11, s24  }
.Ltmp14:
0x220: {  	_ = 	snop;
	(pc) =	sbr.rel @p0 .LBB2_1-.Ltmp14, $4  }
0x221: {  	[hbm4b:s23+s2] =	stream.linear.scatter [tilespmem:s26], [sflag:$0x3], $0xC380, $0x38;
	[tilespmem:$0x1E4C0] =	vst v63  }
0x222: {  	_ =	swait.ge [sflag:s25], $0xC380  }
0x223: {  	[sflag:s25] =	ssyncset.done $0x0  }
0x224: {  	[sflag:s25] =	ssyncadd.s32 $0xFFFF3C80  }
0x225: {  	_ =	sfence.sel $0x180000  }
0x226: {  	[bflag:$0x0] =	sbarrier.arrive $0xFFFF  }
0x227: {  	_ =	strace $0x90000047  }
0x228: {  	s0 =	stileid.u32;
	[bflag:$0x2] =	sbarrier.arrive $0xFFFF  }
0x229: {  	p0 =	sne.s32 s0, $0x0;
	s0 =	rddreg [dreg:$0x2]  }
0x22a: {  	s0 =	sadd.s32 @!p0 $0x100000, s0  }
0x22b: {  	[sflag:s0] =	ssyncadd.tile.s32 @!p0 $0x1;
	_ =	shalt  }
.Lfunc_end2:
_tile_overlayer_lowered:
.L_overlay_start_2:
0x22c: {  	(tag) =	ssettag $0x2  }
0x22d: {  	s0 =	rddreg [dreg:$0x0];
	s2 =	stileid.u32  }
0x22e: {  	s1 =	rddreg [dreg:$0x1];
	p0 =	sne.s32 s2, $0x0  }
0x22f: {  	s3 =	rddreg [dreg:$0x2];
	[bflag:$0x3] =	sbarrier.arrive $0xFFFF;
	s2 =	simm.s32 @!p0 $0x1C03  }
0x230: {  	[timem:s3], [sflag:s2] =	dma.local @!p0 [hbm:s0], s1  }
0x231: {  	s0 =	simm.s32 @!p0 $0x3  }
0x232: {  	_ =	swait.ge @!p0 [sflag:s0], s1  }
0x233: {  	s1 =	ssub.s32 @!p0 $0x0, s1;
	[sflag:s0] =	ssyncset.done @!p0 $0x0  }
0x234: {  	[sflag:s0] =	ssyncadd.s32 @!p0 s1  }
0x235: {  	[bflag:$0x3] =	sbarrier.arrive $0xFFFF  }
0x236: {  	_ =	shalt  }

</sc_bundles>
